<compile_context>
chip_gen: v7x
topology: tpu7x:2x2x1
jax: 0.10.2.dev20260603
libtpu: 0.0.44.dev20260713+nightly
codegen_flags: <defaults>
</compile_context>

<pallas_src>
import functools

import jax
import jax.numpy as jnp
from jax import lax
from jax.experimental import pallas as pl
from jax.experimental.pallas import tpu as pltpu
from jax.experimental.pallas import tpu_sc as plsc

NC = 2
NS = 16
L = 16
CH = 128
NBUF = 4
SHIFT = 14


def _gate_sc_build(N, NP, HALF, EP):
    per_tile = EP // NS
    n_chunks = per_tile // CH
    acc_stripe = NP // NS
    n_zero = acc_stripe // CH

    mesh = plsc.VectorSubcoreMesh(
        core_axis_name="c", subcore_axis_name="s",
        num_cores=NC, num_subcores=NS)

    @functools.partial(
        pl.kernel,
        out_type=jax.ShapeDtypeStruct((NC, NP, HALF), jnp.float32),
        mesh=mesh,
        compiler_params=pltpu.CompilerParams(use_tc_tiling_on_sc=False),
        scratch_types=[
            pltpu.VMEM_SHARED((NP, HALF), jnp.float32),
            pltpu.VMEM((n_chunks, CH), jnp.int32),
            pltpu.VMEM((NBUF, CH), jnp.int32),
            pltpu.VMEM((NBUF, CH), jnp.int32),
            [pltpu.VMEM((CH, HALF), jnp.float32) for _ in range(NBUF)],
            pltpu.VMEM((CH, HALF), jnp.float32),
            pltpu.VMEM((CH, HALF), jnp.float32),
            [pltpu.SemaphoreType.DMA for _ in range(NBUF)],
            pltpu.SemaphoreType.DMA,
        ],
    )
    def gate_sc(xcat_hbm, enc_hbm, out_hbm,
                acc_sh, enc_i, src_i, dst_i, rows, xb_v, ab_v,
                sems, sem_o):
        c = lax.axis_index("c")
        s = lax.axis_index("s")
        coff = c * NP

        pltpu.sync_copy(enc_hbm.at[s], enc_i)
        pltpu.sync_copy(xcat_hbm.at[pl.ds(2 * NP - CH, CH)], xb_v)
        for k in range(n_zero):
            pltpu.sync_copy(xb_v, acc_sh.at[pl.ds(s * acc_stripe + k * CH, CH)])
        plsc.subcore_barrier()

        def decode(g, slot):
            for j in range(CH // L):
                sl = pl.ds(j * L, L)
                ej = enc_i[g, sl]
                src_i[slot, sl] = jnp.bitwise_and(ej, (1 << SHIFT) - 1) + coff
                dst_i[slot, sl] = lax.shift_right_logical(ej, SHIFT)

        def gstart(g, slot):
            pltpu.async_copy(xcat_hbm.at[src_i.at[slot]], rows[slot],
                             sems[slot])

        def gwait(slot):
            pltpu.make_async_copy(xcat_hbm.at[pl.ds(0, CH)], rows[slot],
                                  sems[slot]).wait()

        for b in range(NBUF - 1):
            decode(b, b)
            gstart(b, b)

        def ebody(i, carry):
            g = i * NBUF
            for b in range(NBUF):
                gb = g + b
                slot_n = (b + NBUF - 1) % NBUF

                @pl.when(gb + NBUF - 1 < n_chunks)
                def _():
                    decode(gb + NBUF - 1, slot_n)
                    gstart(gb + NBUF - 1, slot_n)
                gwait(b)
                pltpu.sync_copy(rows[b], acc_sh.at[dst_i.at[b]], add=True)
            return carry
        lax.fori_loop(0, n_chunks // NBUF, ebody, 0)
        plsc.subcore_barrier()

        r0 = s * acc_stripe
        pltpu.sync_copy(acc_sh.at[pl.ds(r0, acc_stripe)],
                        out_hbm.at[c, pl.ds(r0, acc_stripe)])

    return gate_sc


def _finish_tc(x, parts):
    N, D = x.shape
    BR = 2000

    def body(xb, pb, ob):
        acc = jnp.concatenate([pb[0], pb[1]], axis=-1)
        ob[...] = jnp.maximum(xb[...] * 0.5 + 0.25 * acc, 0.0)

    return pl.pallas_call(
        body,
        grid=(N // BR,),
        in_specs=[pl.BlockSpec((BR, D), lambda i: (i, 0)),
                  pl.BlockSpec((2, BR, D // 2), lambda i: (0, i, 0))],
        out_specs=pl.BlockSpec((BR, D), lambda i: (i, 0)),
        out_shape=jax.ShapeDtypeStruct((N, D), jnp.float32),
    )(x, parts)


def kernel(x, edge_index, edge_weights, w_f_w, w_f_b, w_b_w, w_b_b,
           att_f, att_b):
    N, in_dim = x.shape
    half = in_dim // NC
    E = edge_index.shape[1]

    row = edge_index[0]
    col = edge_index[1]
    chunk_all = NS * CH * NBUF
    EP = ((2 * E + chunk_all - 1) // chunk_all) * chunk_all
    pad = EP - 2 * E
    per_tile = EP // NS
    NP = ((N + 1 + NS * CH - 1) // (NS * CH)) * (NS * CH)

    src = jnp.concatenate([row, col, jnp.zeros((pad,), jnp.int32)])
    dst = jnp.concatenate([col, row, jnp.zeros((pad,), jnp.int32)])
    dst = jnp.where(src == dst, N, dst).astype(jnp.int32)
    enc = ((dst << SHIFT) | src).reshape(NS, per_tile // CH, CH)

    xh = x.reshape(N, NC, half).transpose(1, 0, 2)
    xcat = jnp.zeros((NC, NP, half), x.dtype).at[:, :N].set(xh)
    xcat = xcat.reshape(NC * NP, half)

    parts = _gate_sc_build(N, NP, half, EP)(xcat, enc)
    return _finish_tc(x, parts)

# --- scband reference (transcript-rebuilt; emitter-appended) ---
"""Pipeline reference for scband-gate-22797686407494 (READ-ONLY COPY).

The authoritative reference and input builder live on the scoring server;
editing this copy changes nothing except your own understanding.
"""

import jax, jax.numpy as jnp
import numpy as np

N = 10000
E = 160000
IN_DIM = 128
OUT_DIM = 4
HEADS = 1
D_EDGE = 4


def setup_inputs(seed: int = 0):
    key = jax.random.key(seed)
    ks = jax.random.split(key, 10)
    x = jax.random.normal(ks[0], (N, IN_DIM), dtype=jnp.float32)
    edge_index = jax.random.randint(ks[1], (2, E), 0, N, dtype=jnp.int32)
    edge_weights = jax.random.uniform(ks[2], (E, D_EDGE), dtype=jnp.float32)
    s_w = float(np.sqrt(2.0 / (2 * IN_DIM + OUT_DIM * HEADS)))
    w_f_w = jax.random.normal(ks[3], (OUT_DIM * HEADS, 2 * IN_DIM), dtype=jnp.float32) * s_w
    w_b_w = jax.random.normal(ks[4], (OUT_DIM * HEADS, 2 * IN_DIM), dtype=jnp.float32) * s_w
    bb = float(1.0 / np.sqrt(2 * IN_DIM))
    w_f_b = jax.random.uniform(ks[5], (OUT_DIM * HEADS,), minval=-bb, maxval=bb, dtype=jnp.float32)
    w_b_b = jax.random.uniform(ks[6], (OUT_DIM * HEADS,), minval=-bb, maxval=bb, dtype=jnp.float32)
    s_a = float(np.sqrt(6.0 / (OUT_DIM + 1)))
    att_f = jax.random.uniform(ks[7], (HEADS, OUT_DIM, 1), minval=-s_a, maxval=s_a, dtype=jnp.float32)
    att_b = jax.random.uniform(ks[8], (HEADS, OUT_DIM, 1), minval=-s_a, maxval=s_a, dtype=jnp.float32)
    return {"x": x, "edge_index": edge_index, "edge_weights": edge_weights,
            "w_f_w": w_f_w, "w_f_b": w_f_b, "w_b_w": w_b_w, "w_b_b": w_b_b,
            "att_f": att_f, "att_b": att_b}


def _add_remaining_self_loops(edge_index, edge_attr, num_nodes):
    # PyG add_remaining_self_loops with static shapes: remove existing self loops
    # (via a validity mask, equivalent under sum-aggregation) and append one self
    # loop per node with fill_value=1, preserving attrs of pre-existing self loops.
    row, col = edge_index[0], edge_index[1]
    is_self = row == col
    loop = jnp.arange(num_nodes, dtype=edge_index.dtype)
    loop_attr = jnp.ones((num_nodes, edge_attr.shape[1]), dtype=edge_attr.dtype)
    scat = jnp.where(is_self, row, num_nodes)
    loop_attr = loop_attr.at[scat].set(edge_attr, mode="drop")
    new_row = jnp.concatenate([row, loop])
    new_col = jnp.concatenate([col, loop])
    new_attr = jnp.concatenate([edge_attr, loop_attr], axis=0)
    valid = jnp.concatenate([~is_self, jnp.ones((num_nodes,), dtype=bool)])
    return new_row, new_col, new_attr, valid


def _directed_gate(x, src, dst, edge_attr, valid, W, b, att):
    x_j = x[src]
    x_i = x[dst]
    ea = jnp.broadcast_to(edge_attr[:, 0:1], x_j.shape)
    e = jnp.concatenate([x_i + ea, x_j + ea], axis=1)
    z = e @ W.T + b
    z = jax.nn.leaky_relu(z, negative_slope=0.01)
    Ep = e.shape[0]
    z = z.reshape(HEADS, OUT_DIM, Ep)  # row-major reinterpretation, as in torch
    z = jnp.squeeze(z)  # heads==1 -> [OUT_DIM, Ep]
    alpha = z * att  # broadcast with [HEADS, OUT_DIM, 1] -> [HEADS, OUT_DIM, Ep]
    alpha = jax.nn.softmax(alpha, axis=1)
    msg = x_j * alpha[..., None]  # [HEADS, OUT_DIM, Ep, IN_DIM]
    msg = msg * valid.astype(msg.dtype)[None, None, :, None]
    msg = jnp.moveaxis(msg, 2, 0)  # [Ep, HEADS, OUT_DIM, IN_DIM]
    h = jax.ops.segment_sum(msg, dst, num_segments=x.shape[0])
    h = jnp.moveaxis(h, 0, 2)  # [HEADS, OUT_DIM, N, IN_DIM]
    return h.mean(axis=0).mean(axis=0)  # [N, IN_DIM]


def reference(x, edge_index, edge_weights, w_f_w, w_f_b, w_b_w, w_b_b, att_f, att_b):
    row, col, attr, valid = _add_remaining_self_loops(edge_index, edge_weights, x.shape[0])
    # forward direction: x_j = x[row], aggregate into col
    out_f = _directed_gate(x, row, col, attr, valid, w_f_w, w_f_b, att_f)
    # backward direction: edge_index flipped -> x_j = x[col], aggregate into row
    out_b = _directed_gate(x, col, row, attr, valid, w_b_w, w_b_b, att_b)
    out = out_f + out_b
    return jax.nn.relu(out)

if __name__ == "__main__":
    import jax
    _d = setup_inputs()
    print(jax.jit(kernel)(*tuple(_d.values())))

</pallas_src>

<mosaic_0001>
#map = affine_map<(d0, d1) -> (0, 0)>
#map1 = affine_map<(d0, d1) -> (0, 0, 0)>
module attributes {stable_mosaic.version = 14 : i64} {
  func.func @gate_sc(%arg0: i32, %arg1: i32, %arg2: memref<20480x64xf32, #tpu.memory_space<hbm>>, %arg3: memref<16x160x128xi32, #tpu.memory_space<hbm>>, %arg4: memref<2x10240x64xf32, #tpu.memory_space<hbm>>, %arg5: memref<10240x64xf32, #tpu.memory_space<vmem_shared>>, %arg6: memref<160x128xi32, #tpu.memory_space<vmem>>, %arg7: memref<4x128xi32, #tpu.memory_space<vmem>>, %arg8: memref<4x128xi32, #tpu.memory_space<vmem>>, %arg9: memref<128x64xf32, #tpu.memory_space<vmem>>, %arg10: memref<128x64xf32, #tpu.memory_space<vmem>>, %arg11: memref<128x64xf32, #tpu.memory_space<vmem>>, %arg12: memref<128x64xf32, #tpu.memory_space<vmem>>, %arg13: memref<128x64xf32, #tpu.memory_space<vmem>>, %arg14: memref<128x64xf32, #tpu.memory_space<vmem>>, %arg15: memref<!tpu.dma_semaphore, #tpu.memory_space<semaphore_mem>>, %arg16: memref<!tpu.dma_semaphore, #tpu.memory_space<semaphore_mem>>, %arg17: memref<!tpu.dma_semaphore, #tpu.memory_space<semaphore_mem>>, %arg18: memref<!tpu.dma_semaphore, #tpu.memory_space<semaphore_mem>>, %arg19: memref<!tpu.dma_semaphore, #tpu.memory_space<semaphore_mem>>) attributes {dimension_semantics = [#tpu.dimension_semantics<core_parallel>, #tpu.dimension_semantics<subcore_parallel>], iteration_bounds = array<i64: 2, 16>, scalar_prefetch = 0 : i64, scratch_operands = 15 : i64, tpu.core_type = #tpu.core_type<sc_vector_subcore>, window_params = [{transform_indices = #map}, {transform_indices = #map1}, {transform_indices = #map1}]} {
    %mul3A = arith.constant 10240 : i32
    %mul3A_0 = arith.muli %arg0, %mul3A : i32
    "tpu.region"() ({
      %run_scoped3A = tpu.sem_alloc : memref<!tpu.dma_semaphore, #tpu.memory_space<semaphore_mem>>
      %dma_start3A_644 = arith.constant 0 : i32
      %dma_start3A_645 = arith.constant 0 : i32
      %dma_start3A_646 = tpu.memref_slice %arg3[%arg1, %dma_start3A_644, %dma_start3A_645] : memref<16x160x128xi32, #tpu.memory_space<hbm>> -> memref<1x160x128xi32, #tpu.memory_space<hbm>>
      %dma_start3A_647 = tpu.memref_squeeze %dma_start3A_646 : memref<1x160x128xi32, #tpu.memory_space<hbm>> -> memref<160x128xi32, #tpu.memory_space<hbm>>
      %dma_start3A_648 = arith.constant 0 : i32
      %dma_start3A_649 = arith.constant 0 : i32
      %dma_start3A_650 = tpu.memref_slice %arg3[%arg1, %dma_start3A_648, %dma_start3A_649] : memref<16x160x128xi32, #tpu.memory_space<hbm>> -> memref<1x160x128xi32, #tpu.memory_space<hbm>>
      %dma_start3A_651 = tpu.memref_squeeze %dma_start3A_650 : memref<1x160x128xi32, #tpu.memory_space<hbm>> -> memref<160x128xi32, #tpu.memory_space<hbm>>
      tpu.enqueue_dma source(%dma_start3A_651 : memref<160x128xi32, #tpu.memory_space<hbm>>) target(%arg6 : memref<160x128xi32, #tpu.memory_space<vmem>>) target_semaphore(%run_scoped3A : memref<!tpu.dma_semaphore, #tpu.memory_space<semaphore_mem>>)
      %dma_wait3A = arith.constant 0 : i32
      %dma_wait3A_652 = arith.constant 0 : i32
      %dma_wait3A_653 = tpu.memref_slice %arg3[%arg1, %dma_wait3A, %dma_wait3A_652] : memref<16x160x128xi32, #tpu.memory_space<hbm>> -> memref<1x160x128xi32, #tpu.memory_space<hbm>>
      %dma_wait3A_654 = tpu.memref_squeeze %dma_wait3A_653 : memref<1x160x128xi32, #tpu.memory_space<hbm>> -> memref<160x128xi32, #tpu.memory_space<hbm>>
      %dma_wait3A_655 = arith.constant 0 : i32
      %dma_wait3A_656 = arith.constant 0 : i32
      %dma_wait3A_657 = tpu.memref_slice %arg3[%arg1, %dma_wait3A_655, %dma_wait3A_656] : memref<16x160x128xi32, #tpu.memory_space<hbm>> -> memref<1x160x128xi32, #tpu.memory_space<hbm>>
      %dma_wait3A_658 = tpu.memref_squeeze %dma_wait3A_657 : memref<1x160x128xi32, #tpu.memory_space<hbm>> -> memref<160x128xi32, #tpu.memory_space<hbm>>
      tpu.wait_dma2 semaphore(%run_scoped3A : memref<!tpu.dma_semaphore, #tpu.memory_space<semaphore_mem>>) src(%dma_wait3A_658 : memref<160x128xi32, #tpu.memory_space<hbm>>) dst(%arg6 : memref<160x128xi32, #tpu.memory_space<vmem>>)
      tpu.yield
    }) : () -> ()
    "tpu.region"() ({
      %run_scoped3A = tpu.sem_alloc : memref<!tpu.dma_semaphore, #tpu.memory_space<semaphore_mem>>
      %dma_start3A_644 = arith.constant 20352 : i32
      %dma_start3A_645 = arith.constant 0 : i32
      %dma_start3A_646 = tpu.memref_slice %arg2[%dma_start3A_644, %dma_start3A_645] : memref<20480x64xf32, #tpu.memory_space<hbm>> -> memref<128x64xf32, #tpu.memory_space<hbm>>
      %dma_start3A_647 = arith.constant 20352 : i32
      %dma_start3A_648 = arith.constant 0 : i32
      %dma_start3A_649 = tpu.memref_slice %arg2[%dma_start3A_647, %dma_start3A_648] : memref<20480x64xf32, #tpu.memory_space<hbm>> -> memref<128x64xf32, #tpu.memory_space<hbm>>
      tpu.enqueue_dma source(%dma_start3A_649 : memref<128x64xf32, #tpu.memory_space<hbm>>) target(%arg13 : memref<128x64xf32, #tpu.memory_space<vmem>>) target_semaphore(%run_scoped3A : memref<!tpu.dma_semaphore, #tpu.memory_space<semaphore_mem>>)
      %dma_wait3A = arith.constant 20352 : i32
      %dma_wait3A_650 = arith.constant 0 : i32
      %dma_wait3A_651 = tpu.memref_slice %arg2[%dma_wait3A, %dma_wait3A_650] : memref<20480x64xf32, #tpu.memory_space<hbm>> -> memref<128x64xf32, #tpu.memory_space<hbm>>
      %dma_wait3A_652 = arith.constant 20352 : i32
      %dma_wait3A_653 = arith.constant 0 : i32
      %dma_wait3A_654 = tpu.memref_slice %arg2[%dma_wait3A_652, %dma_wait3A_653] : memref<20480x64xf32, #tpu.memory_space<hbm>> -> memref<128x64xf32, #tpu.memory_space<hbm>>
      tpu.wait_dma2 semaphore(%run_scoped3A : memref<!tpu.dma_semaphore, #tpu.memory_space<semaphore_mem>>) src(%dma_wait3A_654 : memref<128x64xf32, #tpu.memory_space<hbm>>) dst(%arg13 : memref<128x64xf32, #tpu.memory_space<vmem>>)
      tpu.yield
    }) : () -> ()
    %mul3A_1 = arith.constant 640 : i32
    %mul3A_2 = arith.muli %arg1, %mul3A_1 : i32
    %add3A = arith.constant 0 : i32
    %add3A_3 = arith.addi %mul3A_2, %add3A : i32
    "tpu.region"() ({
      %run_scoped3A = tpu.sem_alloc : memref<!tpu.dma_semaphore, #tpu.memory_space<semaphore_mem>>
      %dma_start3A_644 = arith.constant 0 : i32
      %dma_start3A_645 = tpu.memref_slice %arg5[%add3A_3, %dma_start3A_644] : memref<10240x64xf32, #tpu.memory_space<vmem_shared>> -> memref<128x64xf32, #tpu.memory_space<vmem_shared>>
      %dma_start3A_646 = arith.constant 0 : i32
      %dma_start3A_647 = tpu.memref_slice %arg5[%add3A_3, %dma_start3A_646] : memref<10240x64xf32, #tpu.memory_space<vmem_shared>> -> memref<128x64xf32, #tpu.memory_space<vmem_shared>>
      tpu.enqueue_dma source(%arg13 : memref<128x64xf32, #tpu.memory_space<vmem>>) target(%dma_start3A_647 : memref<128x64xf32, #tpu.memory_space<vmem_shared>>) target_semaphore(%run_scoped3A : memref<!tpu.dma_semaphore, #tpu.memory_space<semaphore_mem>>)
      %dma_wait3A = arith.constant 0 : i32
      %dma_wait3A_648 = tpu.memref_slice %arg5[%add3A_3, %dma_wait3A] : memref<10240x64xf32, #tpu.memory_space<vmem_shared>> -> memref<128x64xf32, #tpu.memory_space<vmem_shared>>
      %dma_wait3A_649 = arith.constant 0 : i32
      %dma_wait3A_650 = tpu.memref_slice %arg5[%add3A_3, %dma_wait3A_649] : memref<10240x64xf32, #tpu.memory_space<vmem_shared>> -> memref<128x64xf32, #tpu.memory_space<vmem_shared>>
      tpu.wait_dma2 semaphore(%run_scoped3A : memref<!tpu.dma_semaphore, #tpu.memory_space<semaphore_mem>>) src(%arg13 : memref<128x64xf32, #tpu.memory_space<vmem>>) dst(%dma_wait3A_650 : memref<128x64xf32, #tpu.memory_space<vmem_shared>>)
      tpu.yield
    }) : () -> ()
    %mul3A_4 = arith.constant 640 : i32
    %mul3A_5 = arith.muli %arg1, %mul3A_4 : i32
    %add3A_6 = arith.constant 128 : i32
    %add3A_7 = arith.addi %mul3A_5, %add3A_6 : i32
    "tpu.region"() ({
      %run_scoped3A = tpu.sem_alloc : memref<!tpu.dma_semaphore, #tpu.memory_space<semaphore_mem>>
      %dma_start3A_644 = arith.constant 0 : i32
      %dma_start3A_645 = tpu.memref_slice %arg5[%add3A_7, %dma_start3A_644] : memref<10240x64xf32, #tpu.memory_space<vmem_shared>> -> memref<128x64xf32, #tpu.memory_space<vmem_shared>>
      %dma_start3A_646 = arith.constant 0 : i32
      %dma_start3A_647 = tpu.memref_slice %arg5[%add3A_7, %dma_start3A_646] : memref<10240x64xf32, #tpu.memory_space<vmem_shared>> -> memref<128x64xf32, #tpu.memory_space<vmem_shared>>
      tpu.enqueue_dma source(%arg13 : memref<128x64xf32, #tpu.memory_space<vmem>>) target(%dma_start3A_647 : memref<128x64xf32, #tpu.memory_space<vmem_shared>>) target_semaphore(%run_scoped3A : memref<!tpu.dma_semaphore, #tpu.memory_space<semaphore_mem>>)
      %dma_wait3A = arith.constant 0 : i32
      %dma_wait3A_648 = tpu.memref_slice %arg5[%add3A_7, %dma_wait3A] : memref<10240x64xf32, #tpu.memory_space<vmem_shared>> -> memref<128x64xf32, #tpu.memory_space<vmem_shared>>
      %dma_wait3A_649 = arith.constant 0 : i32
      %dma_wait3A_650 = tpu.memref_slice %arg5[%add3A_7, %dma_wait3A_649] : memref<10240x64xf32, #tpu.memory_space<vmem_shared>> -> memref<128x64xf32, #tpu.memory_space<vmem_shared>>
      tpu.wait_dma2 semaphore(%run_scoped3A : memref<!tpu.dma_semaphore, #tpu.memory_space<semaphore_mem>>) src(%arg13 : memref<128x64xf32, #tpu.memory_space<vmem>>) dst(%dma_wait3A_650 : memref<128x64xf32, #tpu.memory_space<vmem_shared>>)
      tpu.yield
    }) : () -> ()
    %mul3A_8 = arith.constant 640 : i32
    %mul3A_9 = arith.muli %arg1, %mul3A_8 : i32
    %add3A_10 = arith.constant 256 : i32
    %add3A_11 = arith.addi %mul3A_9, %add3A_10 : i32
    "tpu.region"() ({
      %run_scoped3A = tpu.sem_alloc : memref<!tpu.dma_semaphore, #tpu.memory_space<semaphore_mem>>
      %dma_start3A_644 = arith.constant 0 : i32
      %dma_start3A_645 = tpu.memref_slice %arg5[%add3A_11, %dma_start3A_644] : memref<10240x64xf32, #tpu.memory_space<vmem_shared>> -> memref<128x64xf32, #tpu.memory_space<vmem_shared>>
      %dma_start3A_646 = arith.constant 0 : i32
      %dma_start3A_647 = tpu.memref_slice %arg5[%add3A_11, %dma_start3A_646] : memref<10240x64xf32, #tpu.memory_space<vmem_shared>> -> memref<128x64xf32, #tpu.memory_space<vmem_shared>>
      tpu.enqueue_dma source(%arg13 : memref<128x64xf32, #tpu.memory_space<vmem>>) target(%dma_start3A_647 : memref<128x64xf32, #tpu.memory_space<vmem_shared>>) target_semaphore(%run_scoped3A : memref<!tpu.dma_semaphore, #tpu.memory_space<semaphore_mem>>)
      %dma_wait3A = arith.constant 0 : i32
      %dma_wait3A_648 = tpu.memref_slice %arg5[%add3A_11, %dma_wait3A] : memref<10240x64xf32, #tpu.memory_space<vmem_shared>> -> memref<128x64xf32, #tpu.memory_space<vmem_shared>>
      %dma_wait3A_649 = arith.constant 0 : i32
      %dma_wait3A_650 = tpu.memref_slice %arg5[%add3A_11, %dma_wait3A_649] : memref<10240x64xf32, #tpu.memory_space<vmem_shared>> -> memref<128x64xf32, #tpu.memory_space<vmem_shared>>
      tpu.wait_dma2 semaphore(%run_scoped3A : memref<!tpu.dma_semaphore, #tpu.memory_space<semaphore_mem>>) src(%arg13 : memref<128x64xf32, #tpu.memory_space<vmem>>) dst(%dma_wait3A_650 : memref<128x64xf32, #tpu.memory_space<vmem_shared>>)
      tpu.yield
    }) : () -> ()
    %mul3A_12 = arith.constant 640 : i32
    %mul3A_13 = arith.muli %arg1, %mul3A_12 : i32
    %add3A_14 = arith.constant 384 : i32
    %add3A_15 = arith.addi %mul3A_13, %add3A_14 : i32
    "tpu.region"() ({
      %run_scoped3A = tpu.sem_alloc : memref<!tpu.dma_semaphore, #tpu.memory_space<semaphore_mem>>
      %dma_start3A_644 = arith.constant 0 : i32
      %dma_start3A_645 = tpu.memref_slice %arg5[%add3A_15, %dma_start3A_644] : memref<10240x64xf32, #tpu.memory_space<vmem_shared>> -> memref<128x64xf32, #tpu.memory_space<vmem_shared>>
      %dma_start3A_646 = arith.constant 0 : i32
      %dma_start3A_647 = tpu.memref_slice %arg5[%add3A_15, %dma_start3A_646] : memref<10240x64xf32, #tpu.memory_space<vmem_shared>> -> memref<128x64xf32, #tpu.memory_space<vmem_shared>>
      tpu.enqueue_dma source(%arg13 : memref<128x64xf32, #tpu.memory_space<vmem>>) target(%dma_start3A_647 : memref<128x64xf32, #tpu.memory_space<vmem_shared>>) target_semaphore(%run_scoped3A : memref<!tpu.dma_semaphore, #tpu.memory_space<semaphore_mem>>)
      %dma_wait3A = arith.constant 0 : i32
      %dma_wait3A_648 = tpu.memref_slice %arg5[%add3A_15, %dma_wait3A] : memref<10240x64xf32, #tpu.memory_space<vmem_shared>> -> memref<128x64xf32, #tpu.memory_space<vmem_shared>>
      %dma_wait3A_649 = arith.constant 0 : i32
      %dma_wait3A_650 = tpu.memref_slice %arg5[%add3A_15, %dma_wait3A_649] : memref<10240x64xf32, #tpu.memory_space<vmem_shared>> -> memref<128x64xf32, #tpu.memory_space<vmem_shared>>
      tpu.wait_dma2 semaphore(%run_scoped3A : memref<!tpu.dma_semaphore, #tpu.memory_space<semaphore_mem>>) src(%arg13 : memref<128x64xf32, #tpu.memory_space<vmem>>) dst(%dma_wait3A_650 : memref<128x64xf32, #tpu.memory_space<vmem_shared>>)
      tpu.yield
    }) : () -> ()
    %mul3A_16 = arith.constant 640 : i32
    %mul3A_17 = arith.muli %arg1, %mul3A_16 : i32
    %add3A_18 = arith.constant 512 : i32
    %add3A_19 = arith.addi %mul3A_17, %add3A_18 : i32
    "tpu.region"() ({
      %run_scoped3A = tpu.sem_alloc : memref<!tpu.dma_semaphore, #tpu.memory_space<semaphore_mem>>
      %dma_start3A_644 = arith.constant 0 : i32
      %dma_start3A_645 = tpu.memref_slice %arg5[%add3A_19, %dma_start3A_644] : memref<10240x64xf32, #tpu.memory_space<vmem_shared>> -> memref<128x64xf32, #tpu.memory_space<vmem_shared>>
      %dma_start3A_646 = arith.constant 0 : i32
      %dma_start3A_647 = tpu.memref_slice %arg5[%add3A_19, %dma_start3A_646] : memref<10240x64xf32, #tpu.memory_space<vmem_shared>> -> memref<128x64xf32, #tpu.memory_space<vmem_shared>>
      tpu.enqueue_dma source(%arg13 : memref<128x64xf32, #tpu.memory_space<vmem>>) target(%dma_start3A_647 : memref<128x64xf32, #tpu.memory_space<vmem_shared>>) target_semaphore(%run_scoped3A : memref<!tpu.dma_semaphore, #tpu.memory_space<semaphore_mem>>)
      %dma_wait3A = arith.constant 0 : i32
      %dma_wait3A_648 = tpu.memref_slice %arg5[%add3A_19, %dma_wait3A] : memref<10240x64xf32, #tpu.memory_space<vmem_shared>> -> memref<128x64xf32, #tpu.memory_space<vmem_shared>>
      %dma_wait3A_649 = arith.constant 0 : i32
      %dma_wait3A_650 = tpu.memref_slice %arg5[%add3A_19, %dma_wait3A_649] : memref<10240x64xf32, #tpu.memory_space<vmem_shared>> -> memref<128x64xf32, #tpu.memory_space<vmem_shared>>
      tpu.wait_dma2 semaphore(%run_scoped3A : memref<!tpu.dma_semaphore, #tpu.memory_space<semaphore_mem>>) src(%arg13 : memref<128x64xf32, #tpu.memory_space<vmem>>) dst(%dma_wait3A_650 : memref<128x64xf32, #tpu.memory_space<vmem_shared>>)
      tpu.yield
    }) : () -> ()
    %barrier3A = arith.constant 0 : index
    tpu.barrier barrier_id(%barrier3A)
    %get3A = arith.constant 0 : i32
    %get3A_20 = arith.index_cast %get3A : i32 to index
    %get3A_21 = arith.constant 0 : index
    %get3A_22 = tpu.vector_load %arg6[%get3A_20, %get3A_21] {strides = array<i32>} : memref<160x128xi32, #tpu.memory_space<vmem>>, vector<1x16xi32>,
    %get3A_23 = vector.shape_cast %get3A_22 : vector<1x16xi32> to vector<16xi32>
    %and3A = arith.constant 16383 : i32
    %and3A_24 = vector.broadcast %and3A : i32 to vector<16xi32>
    %and3A_25 = arith.andi %get3A_23, %and3A_24 : vector<16xi32>
    %add3A_26 = vector.broadcast %mul3A_0 : i32 to vector<16xi32>
    %add3A_27 = arith.addi %and3A_25, %add3A_26 : vector<16xi32>
    %swap3A = arith.constant 0 : i32
    %swap3A_28 = arith.index_cast %swap3A : i32 to index
    %swap3A_29 = arith.constant 0 : index
    %swap3A_30 = tpu.vector_load %arg7[%swap3A_28, %swap3A_29] {strides = array<i32>} : memref<4x128xi32, #tpu.memory_space<vmem>>, vector<1x16xi32>,
    %swap3A_31 = vector.shape_cast %swap3A_30 : vector<1x16xi32> to vector<16xi32>
    %swap3A_32 = vector.shape_cast %add3A_27 : vector<16xi32> to vector<1x16xi32>
    tpu.vector_store %arg7[%swap3A_28, %swap3A_29], %swap3A_32 {strides = array<i32>} : memref<4x128xi32, #tpu.memory_space<vmem>>, vector<1x16xi32>,
    %shift_right_logical3A = arith.constant 14 : i32
    %shift_right_logical3A_33 = vector.broadcast %shift_right_logical3A : i32 to vector<16xi32>
    %shift_right_logical3A_34 = arith.shrui %get3A_23, %shift_right_logical3A_33 : vector<16xi32>
    %swap3A_35 = arith.constant 0 : i32
    %swap3A_36 = arith.index_cast %swap3A_35 : i32 to index
    %swap3A_37 = arith.constant 0 : index
    %swap3A_38 = tpu.vector_load %arg8[%swap3A_36, %swap3A_37] {strides = array<i32>} : memref<4x128xi32, #tpu.memory_space<vmem>>, vector<1x16xi32>,
    %swap3A_39 = vector.shape_cast %swap3A_38 : vector<1x16xi32> to vector<16xi32>
    %swap3A_40 = vector.shape_cast %shift_right_logical3A_34 : vector<16xi32> to vector<1x16xi32>
    tpu.vector_store %arg8[%swap3A_36, %swap3A_37], %swap3A_40 {strides = array<i32>} : memref<4x128xi32, #tpu.memory_space<vmem>>, vector<1x16xi32>,
    %get3A_41 = arith.constant 0 : i32
    %get3A_42 = arith.index_cast %get3A_41 : i32 to index
    %get3A_43 = arith.constant 16 : index
    %get3A_44 = tpu.vector_load %arg6[%get3A_42, %get3A_43] {strides = array<i32>} : memref<160x128xi32, #tpu.memory_space<vmem>>, vector<1x16xi32>,
    %get3A_45 = vector.shape_cast %get3A_44 : vector<1x16xi32> to vector<16xi32>
    %and3A_46 = arith.constant 16383 : i32
    %and3A_47 = vector.broadcast %and3A_46 : i32 to vector<16xi32>
    %and3A_48 = arith.andi %get3A_45, %and3A_47 : vector<16xi32>
    %add3A_49 = vector.broadcast %mul3A_0 : i32 to vector<16xi32>
    %add3A_50 = arith.addi %and3A_48, %add3A_49 : vector<16xi32>
    %swap3A_51 = arith.constant 0 : i32
    %swap3A_52 = arith.index_cast %swap3A_51 : i32 to index
    %swap3A_53 = arith.constant 16 : index
    %swap3A_54 = tpu.vector_load %arg7[%swap3A_52, %swap3A_53] {strides = array<i32>} : memref<4x128xi32, #tpu.memory_space<vmem>>, vector<1x16xi32>,
    %swap3A_55 = vector.shape_cast %swap3A_54 : vector<1x16xi32> to vector<16xi32>
    %swap3A_56 = vector.shape_cast %add3A_50 : vector<16xi32> to vector<1x16xi32>
    tpu.vector_store %arg7[%swap3A_52, %swap3A_53], %swap3A_56 {strides = array<i32>} : memref<4x128xi32, #tpu.memory_space<vmem>>, vector<1x16xi32>,
    %shift_right_logical3A_57 = arith.constant 14 : i32
    %shift_right_logical3A_58 = vector.broadcast %shift_right_logical3A_57 : i32 to vector<16xi32>
    %shift_right_logical3A_59 = arith.shrui %get3A_45, %shift_right_logical3A_58 : vector<16xi32>
    %swap3A_60 = arith.constant 0 : i32
    %swap3A_61 = arith.index_cast %swap3A_60 : i32 to index
    %swap3A_62 = arith.constant 16 : index
    %swap3A_63 = tpu.vector_load %arg8[%swap3A_61, %swap3A_62] {strides = array<i32>} : memref<4x128xi32, #tpu.memory_space<vmem>>, vector<1x16xi32>,
    %swap3A_64 = vector.shape_cast %swap3A_63 : vector<1x16xi32> to vector<16xi32>
    %swap3A_65 = vector.shape_cast %shift_right_logical3A_59 : vector<16xi32> to vector<1x16xi32>
    tpu.vector_store %arg8[%swap3A_61, %swap3A_62], %swap3A_65 {strides = array<i32>} : memref<4x128xi32, #tpu.memory_space<vmem>>, vector<1x16xi32>,
    %get3A_66 = arith.constant 0 : i32
    %get3A_67 = arith.index_cast %get3A_66 : i32 to index
    %get3A_68 = arith.constant 32 : index
    %get3A_69 = tpu.vector_load %arg6[%get3A_67, %get3A_68] {strides = array<i32>} : memref<160x128xi32, #tpu.memory_space<vmem>>, vector<1x16xi32>,
    %get3A_70 = vector.shape_cast %get3A_69 : vector<1x16xi32> to vector<16xi32>
    %and3A_71 = arith.constant 16383 : i32
    %and3A_72 = vector.broadcast %and3A_71 : i32 to vector<16xi32>
    %and3A_73 = arith.andi %get3A_70, %and3A_72 : vector<16xi32>
    %add3A_74 = vector.broadcast %mul3A_0 : i32 to vector<16xi32>
    %add3A_75 = arith.addi %and3A_73, %add3A_74 : vector<16xi32>
    %swap3A_76 = arith.constant 0 : i32
    %swap3A_77 = arith.index_cast %swap3A_76 : i32 to index
    %swap3A_78 = arith.constant 32 : index
    %swap3A_79 = tpu.vector_load %arg7[%swap3A_77, %swap3A_78] {strides = array<i32>} : memref<4x128xi32, #tpu.memory_space<vmem>>, vector<1x16xi32>,
    %swap3A_80 = vector.shape_cast %swap3A_79 : vector<1x16xi32> to vector<16xi32>
    %swap3A_81 = vector.shape_cast %add3A_75 : vector<16xi32> to vector<1x16xi32>
    tpu.vector_store %arg7[%swap3A_77, %swap3A_78], %swap3A_81 {strides = array<i32>} : memref<4x128xi32, #tpu.memory_space<vmem>>, vector<1x16xi32>,
    %shift_right_logical3A_82 = arith.constant 14 : i32
    %shift_right_logical3A_83 = vector.broadcast %shift_right_logical3A_82 : i32 to vector<16xi32>
    %shift_right_logical3A_84 = arith.shrui %get3A_70, %shift_right_logical3A_83 : vector<16xi32>
    %swap3A_85 = arith.constant 0 : i32
    %swap3A_86 = arith.index_cast %swap3A_85 : i32 to index
    %swap3A_87 = arith.constant 32 : index
    %swap3A_88 = tpu.vector_load %arg8[%swap3A_86, %swap3A_87] {strides = array<i32>} : memref<4x128xi32, #tpu.memory_space<vmem>>, vector<1x16xi32>,
    %swap3A_89 = vector.shape_cast %swap3A_88 : vector<1x16xi32> to vector<16xi32>
    %swap3A_90 = vector.shape_cast %shift_right_logical3A_84 : vector<16xi32> to vector<1x16xi32>
    tpu.vector_store %arg8[%swap3A_86, %swap3A_87], %swap3A_90 {strides = array<i32>} : memref<4x128xi32, #tpu.memory_space<vmem>>, vector<1x16xi32>,
    %get3A_91 = arith.constant 0 : i32
    %get3A_92 = arith.index_cast %get3A_91 : i32 to index
    %get3A_93 = arith.constant 48 : index
    %get3A_94 = tpu.vector_load %arg6[%get3A_92, %get3A_93] {strides = array<i32>} : memref<160x128xi32, #tpu.memory_space<vmem>>, vector<1x16xi32>,
    %get3A_95 = vector.shape_cast %get3A_94 : vector<1x16xi32> to vector<16xi32>
    %and3A_96 = arith.constant 16383 : i32
    %and3A_97 = vector.broadcast %and3A_96 : i32 to vector<16xi32>
    %and3A_98 = arith.andi %get3A_95, %and3A_97 : vector<16xi32>
    %add3A_99 = vector.broadcast %mul3A_0 : i32 to vector<16xi32>
    %add3A_100 = arith.addi %and3A_98, %add3A_99 : vector<16xi32>
    %swap3A_101 = arith.constant 0 : i32
    %swap3A_102 = arith.index_cast %swap3A_101 : i32 to index
    %swap3A_103 = arith.constant 48 : index
    %swap3A_104 = tpu.vector_load %arg7[%swap3A_102, %swap3A_103] {strides = array<i32>} : memref<4x128xi32, #tpu.memory_space<vmem>>, vector<1x16xi32>,
    %swap3A_105 = vector.shape_cast %swap3A_104 : vector<1x16xi32> to vector<16xi32>
    %swap3A_106 = vector.shape_cast %add3A_100 : vector<16xi32> to vector<1x16xi32>
    tpu.vector_store %arg7[%swap3A_102, %swap3A_103], %swap3A_106 {strides = array<i32>} : memref<4x128xi32, #tpu.memory_space<vmem>>, vector<1x16xi32>,
    %shift_right_logical3A_107 = arith.constant 14 : i32
    %shift_right_logical3A_108 = vector.broadcast %shift_right_logical3A_107 : i32 to vector<16xi32>
    %shift_right_logical3A_109 = arith.shrui %get3A_95, %shift_right_logical3A_108 : vector<16xi32>
    %swap3A_110 = arith.constant 0 : i32
    %swap3A_111 = arith.index_cast %swap3A_110 : i32 to index
    %swap3A_112 = arith.constant 48 : index
    %swap3A_113 = tpu.vector_load %arg8[%swap3A_111, %swap3A_112] {strides = array<i32>} : memref<4x128xi32, #tpu.memory_space<vmem>>, vector<1x16xi32>,
    %swap3A_114 = vector.shape_cast %swap3A_113 : vector<1x16xi32> to vector<16xi32>
    %swap3A_115 = vector.shape_cast %shift_right_logical3A_109 : vector<16xi32> to vector<1x16xi32>
    tpu.vector_store %arg8[%swap3A_111, %swap3A_112], %swap3A_115 {strides = array<i32>} : memref<4x128xi32, #tpu.memory_space<vmem>>, vector<1x16xi32>,
    %get3A_116 = arith.constant 0 : i32
    %get3A_117 = arith.index_cast %get3A_116 : i32 to index
    %get3A_118 = arith.constant 64 : index
    %get3A_119 = tpu.vector_load %arg6[%get3A_117, %get3A_118] {strides = array<i32>} : memref<160x128xi32, #tpu.memory_space<vmem>>, vector<1x16xi32>,
    %get3A_120 = vector.shape_cast %get3A_119 : vector<1x16xi32> to vector<16xi32>
    %and3A_121 = arith.constant 16383 : i32
    %and3A_122 = vector.broadcast %and3A_121 : i32 to vector<16xi32>
    %and3A_123 = arith.andi %get3A_120, %and3A_122 : vector<16xi32>
    %add3A_124 = vector.broadcast %mul3A_0 : i32 to vector<16xi32>
    %add3A_125 = arith.addi %and3A_123, %add3A_124 : vector<16xi32>
    %swap3A_126 = arith.constant 0 : i32
    %swap3A_127 = arith.index_cast %swap3A_126 : i32 to index
    %swap3A_128 = arith.constant 64 : index
    %swap3A_129 = tpu.vector_load %arg7[%swap3A_127, %swap3A_128] {strides = array<i32>} : memref<4x128xi32, #tpu.memory_space<vmem>>, vector<1x16xi32>,
    %swap3A_130 = vector.shape_cast %swap3A_129 : vector<1x16xi32> to vector<16xi32>
    %swap3A_131 = vector.shape_cast %add3A_125 : vector<16xi32> to vector<1x16xi32>
    tpu.vector_store %arg7[%swap3A_127, %swap3A_128], %swap3A_131 {strides = array<i32>} : memref<4x128xi32, #tpu.memory_space<vmem>>, vector<1x16xi32>,
    %shift_right_logical3A_132 = arith.constant 14 : i32
    %shift_right_logical3A_133 = vector.broadcast %shift_right_logical3A_132 : i32 to vector<16xi32>
    %shift_right_logical3A_134 = arith.shrui %get3A_120, %shift_right_logical3A_133 : vector<16xi32>
    %swap3A_135 = arith.constant 0 : i32
    %swap3A_136 = arith.index_cast %swap3A_135 : i32 to index
    %swap3A_137 = arith.constant 64 : index
    %swap3A_138 = tpu.vector_load %arg8[%swap3A_136, %swap3A_137] {strides = array<i32>} : memref<4x128xi32, #tpu.memory_space<vmem>>, vector<1x16xi32>,
    %swap3A_139 = vector.shape_cast %swap3A_138 : vector<1x16xi32> to vector<16xi32>
    %swap3A_140 = vector.shape_cast %shift_right_logical3A_134 : vector<16xi32> to vector<1x16xi32>
    tpu.vector_store %arg8[%swap3A_136, %swap3A_137], %swap3A_140 {strides = array<i32>} : memref<4x128xi32, #tpu.memory_space<vmem>>, vector<1x16xi32>,
    %get3A_141 = arith.constant 0 : i32
    %get3A_142 = arith.index_cast %get3A_141 : i32 to index
    %get3A_143 = arith.constant 80 : index
    %get3A_144 = tpu.vector_load %arg6[%get3A_142, %get3A_143] {strides = array<i32>} : memref<160x128xi32, #tpu.memory_space<vmem>>, vector<1x16xi32>,
    %get3A_145 = vector.shape_cast %get3A_144 : vector<1x16xi32> to vector<16xi32>
    %and3A_146 = arith.constant 16383 : i32
    %and3A_147 = vector.broadcast %and3A_146 : i32 to vector<16xi32>
    %and3A_148 = arith.andi %get3A_145, %and3A_147 : vector<16xi32>
    %add3A_149 = vector.broadcast %mul3A_0 : i32 to vector<16xi32>
    %add3A_150 = arith.addi %and3A_148, %add3A_149 : vector<16xi32>
    %swap3A_151 = arith.constant 0 : i32
    %swap3A_152 = arith.index_cast %swap3A_151 : i32 to index
    %swap3A_153 = arith.constant 80 : index
    %swap3A_154 = tpu.vector_load %arg7[%swap3A_152, %swap3A_153] {strides = array<i32>} : memref<4x128xi32, #tpu.memory_space<vmem>>, vector<1x16xi32>,
    %swap3A_155 = vector.shape_cast %swap3A_154 : vector<1x16xi32> to vector<16xi32>
    %swap3A_156 = vector.shape_cast %add3A_150 : vector<16xi32> to vector<1x16xi32>
    tpu.vector_store %arg7[%swap3A_152, %swap3A_153], %swap3A_156 {strides = array<i32>} : memref<4x128xi32, #tpu.memory_space<vmem>>, vector<1x16xi32>,
    %shift_right_logical3A_157 = arith.constant 14 : i32
    %shift_right_logical3A_158 = vector.broadcast %shift_right_logical3A_157 : i32 to vector<16xi32>
    %shift_right_logical3A_159 = arith.shrui %get3A_145, %shift_right_logical3A_158 : vector<16xi32>
    %swap3A_160 = arith.constant 0 : i32
    %swap3A_161 = arith.index_cast %swap3A_160 : i32 to index
    %swap3A_162 = arith.constant 80 : index
    %swap3A_163 = tpu.vector_load %arg8[%swap3A_161, %swap3A_162] {strides = array<i32>} : memref<4x128xi32, #tpu.memory_space<vmem>>, vector<1x16xi32>,
    %swap3A_164 = vector.shape_cast %swap3A_163 : vector<1x16xi32> to vector<16xi32>
    %swap3A_165 = vector.shape_cast %shift_right_logical3A_159 : vector<16xi32> to vector<1x16xi32>
    tpu.vector_store %arg8[%swap3A_161, %swap3A_162], %swap3A_165 {strides = array<i32>} : memref<4x128xi32, #tpu.memory_space<vmem>>, vector<1x16xi32>,
    %get3A_166 = arith.constant 0 : i32
    %get3A_167 = arith.index_cast %get3A_166 : i32 to index
    %get3A_168 = arith.constant 96 : index
    %get3A_169 = tpu.vector_load %arg6[%get3A_167, %get3A_168] {strides = array<i32>} : memref<160x128xi32, #tpu.memory_space<vmem>>, vector<1x16xi32>,
    %get3A_170 = vector.shape_cast %get3A_169 : vector<1x16xi32> to vector<16xi32>
    %and3A_171 = arith.constant 16383 : i32
    %and3A_172 = vector.broadcast %and3A_171 : i32 to vector<16xi32>
    %and3A_173 = arith.andi %get3A_170, %and3A_172 : vector<16xi32>
    %add3A_174 = vector.broadcast %mul3A_0 : i32 to vector<16xi32>
    %add3A_175 = arith.addi %and3A_173, %add3A_174 : vector<16xi32>
    %swap3A_176 = arith.constant 0 : i32
    %swap3A_177 = arith.index_cast %swap3A_176 : i32 to index
    %swap3A_178 = arith.constant 96 : index
    %swap3A_179 = tpu.vector_load %arg7[%swap3A_177, %swap3A_178] {strides = array<i32>} : memref<4x128xi32, #tpu.memory_space<vmem>>, vector<1x16xi32>,
    %swap3A_180 = vector.shape_cast %swap3A_179 : vector<1x16xi32> to vector<16xi32>
    %swap3A_181 = vector.shape_cast %add3A_175 : vector<16xi32> to vector<1x16xi32>
    tpu.vector_store %arg7[%swap3A_177, %swap3A_178], %swap3A_181 {strides = array<i32>} : memref<4x128xi32, #tpu.memory_space<vmem>>, vector<1x16xi32>,
    %shift_right_logical3A_182 = arith.constant 14 : i32
    %shift_right_logical3A_183 = vector.broadcast %shift_right_logical3A_182 : i32 to vector<16xi32>
    %shift_right_logical3A_184 = arith.shrui %get3A_170, %shift_right_logical3A_183 : vector<16xi32>
    %swap3A_185 = arith.constant 0 : i32
    %swap3A_186 = arith.index_cast %swap3A_185 : i32 to index
    %swap3A_187 = arith.constant 96 : index
    %swap3A_188 = tpu.vector_load %arg8[%swap3A_186, %swap3A_187] {strides = array<i32>} : memref<4x128xi32, #tpu.memory_space<vmem>>, vector<1x16xi32>,
    %swap3A_189 = vector.shape_cast %swap3A_188 : vector<1x16xi32> to vector<16xi32>
    %swap3A_190 = vector.shape_cast %shift_right_logical3A_184 : vector<16xi32> to vector<1x16xi32>
    tpu.vector_store %arg8[%swap3A_186, %swap3A_187], %swap3A_190 {strides = array<i32>} : memref<4x128xi32, #tpu.memory_space<vmem>>, vector<1x16xi32>,
    %get3A_191 = arith.constant 0 : i32
    %get3A_192 = arith.index_cast %get3A_191 : i32 to index
    %get3A_193 = arith.constant 112 : index
    %get3A_194 = tpu.vector_load %arg6[%get3A_192, %get3A_193] {strides = array<i32>} : memref<160x128xi32, #tpu.memory_space<vmem>>, vector<1x16xi32>,
    %get3A_195 = vector.shape_cast %get3A_194 : vector<1x16xi32> to vector<16xi32>
    %and3A_196 = arith.constant 16383 : i32
    %and3A_197 = vector.broadcast %and3A_196 : i32 to vector<16xi32>
    %and3A_198 = arith.andi %get3A_195, %and3A_197 : vector<16xi32>
    %add3A_199 = vector.broadcast %mul3A_0 : i32 to vector<16xi32>
    %add3A_200 = arith.addi %and3A_198, %add3A_199 : vector<16xi32>
    %swap3A_201 = arith.constant 0 : i32
    %swap3A_202 = arith.index_cast %swap3A_201 : i32 to index
    %swap3A_203 = arith.constant 112 : index
    %swap3A_204 = tpu.vector_load %arg7[%swap3A_202, %swap3A_203] {strides = array<i32>} : memref<4x128xi32, #tpu.memory_space<vmem>>, vector<1x16xi32>,
    %swap3A_205 = vector.shape_cast %swap3A_204 : vector<1x16xi32> to vector<16xi32>
    %swap3A_206 = vector.shape_cast %add3A_200 : vector<16xi32> to vector<1x16xi32>
    tpu.vector_store %arg7[%swap3A_202, %swap3A_203], %swap3A_206 {strides = array<i32>} : memref<4x128xi32, #tpu.memory_space<vmem>>, vector<1x16xi32>,
    %shift_right_logical3A_207 = arith.constant 14 : i32
    %shift_right_logical3A_208 = vector.broadcast %shift_right_logical3A_207 : i32 to vector<16xi32>
    %shift_right_logical3A_209 = arith.shrui %get3A_195, %shift_right_logical3A_208 : vector<16xi32>
    %swap3A_210 = arith.constant 0 : i32
    %swap3A_211 = arith.index_cast %swap3A_210 : i32 to index
    %swap3A_212 = arith.constant 112 : index
    %swap3A_213 = tpu.vector_load %arg8[%swap3A_211, %swap3A_212] {strides = array<i32>} : memref<4x128xi32, #tpu.memory_space<vmem>>, vector<1x16xi32>,
    %swap3A_214 = vector.shape_cast %swap3A_213 : vector<1x16xi32> to vector<16xi32>
    %swap3A_215 = vector.shape_cast %shift_right_logical3A_209 : vector<16xi32> to vector<1x16xi32>
    tpu.vector_store %arg8[%swap3A_211, %swap3A_212], %swap3A_215 {strides = array<i32>} : memref<4x128xi32, #tpu.memory_space<vmem>>, vector<1x16xi32>,
    %dma_start3A = arith.constant 0 : i32
    %dma_start3A_216 = arith.constant 0 : i32
    %dma_start3A_217 = tpu.memref_slice %arg7[%dma_start3A, %dma_start3A_216] : memref<4x128xi32, #tpu.memory_space<vmem>> -> memref<1x128xi32, #tpu.memory_space<vmem>>
    %dma_start3A_218 = tpu.memref_squeeze %dma_start3A_217 : memref<1x128xi32, #tpu.memory_space<vmem>> -> memref<128xi32, #tpu.memory_space<vmem>>
    %dma_start3A_219 = arith.constant 0 : i32
    %dma_start3A_220 = arith.constant 0 : i32
    %dma_start3A_221 = tpu.memref_slice %arg2[%dma_start3A_219, %dma_start3A_220] : memref<20480x64xf32, #tpu.memory_space<hbm>> -> memref<20480x64xf32, #tpu.memory_space<hbm>>
    tpu.enqueue_indirect_dma source(%dma_start3A_221 : memref<20480x64xf32, #tpu.memory_space<hbm>>) target(%arg9 : memref<128x64xf32, #tpu.memory_space<vmem>>) offsets(%dma_start3A_218 : memref<128xi32, #tpu.memory_space<vmem>>) semaphore(%arg15 : memref<!tpu.dma_semaphore, #tpu.memory_space<semaphore_mem>>)
    %get3A_222 = arith.constant 1 : i32
    %get3A_223 = arith.index_cast %get3A_222 : i32 to index
    %get3A_224 = arith.constant 0 : index
    %get3A_225 = tpu.vector_load %arg6[%get3A_223, %get3A_224] {strides = array<i32>} : memref<160x128xi32, #tpu.memory_space<vmem>>, vector<1x16xi32>,
    %get3A_226 = vector.shape_cast %get3A_225 : vector<1x16xi32> to vector<16xi32>
    %and3A_227 = arith.constant 16383 : i32
    %and3A_228 = vector.broadcast %and3A_227 : i32 to vector<16xi32>
    %and3A_229 = arith.andi %get3A_226, %and3A_228 : vector<16xi32>
    %add3A_230 = vector.broadcast %mul3A_0 : i32 to vector<16xi32>
    %add3A_231 = arith.addi %and3A_229, %add3A_230 : vector<16xi32>
    %swap3A_232 = arith.constant 1 : i32
    %swap3A_233 = arith.index_cast %swap3A_232 : i32 to index
    %swap3A_234 = arith.constant 0 : index
    %swap3A_235 = tpu.vector_load %arg7[%swap3A_233, %swap3A_234] {strides = array<i32>} : memref<4x128xi32, #tpu.memory_space<vmem>>, vector<1x16xi32>,
    %swap3A_236 = vector.shape_cast %swap3A_235 : vector<1x16xi32> to vector<16xi32>
    %swap3A_237 = vector.shape_cast %add3A_231 : vector<16xi32> to vector<1x16xi32>
    tpu.vector_store %arg7[%swap3A_233, %swap3A_234], %swap3A_237 {strides = array<i32>} : memref<4x128xi32, #tpu.memory_space<vmem>>, vector<1x16xi32>,
    %shift_right_logical3A_238 = arith.constant 14 : i32
    %shift_right_logical3A_239 = vector.broadcast %shift_right_logical3A_238 : i32 to vector<16xi32>
    %shift_right_logical3A_240 = arith.shrui %get3A_226, %shift_right_logical3A_239 : vector<16xi32>
    %swap3A_241 = arith.constant 1 : i32
    %swap3A_242 = arith.index_cast %swap3A_241 : i32 to index
    %swap3A_243 = arith.constant 0 : index
    %swap3A_244 = tpu.vector_load %arg8[%swap3A_242, %swap3A_243] {strides = array<i32>} : memref<4x128xi32, #tpu.memory_space<vmem>>, vector<1x16xi32>,
    %swap3A_245 = vector.shape_cast %swap3A_244 : vector<1x16xi32> to vector<16xi32>
    %swap3A_246 = vector.shape_cast %shift_right_logical3A_240 : vector<16xi32> to vector<1x16xi32>
    tpu.vector_store %arg8[%swap3A_242, %swap3A_243], %swap3A_246 {strides = array<i32>} : memref<4x128xi32, #tpu.memory_space<vmem>>, vector<1x16xi32>,
    %get3A_247 = arith.constant 1 : i32
    %get3A_248 = arith.index_cast %get3A_247 : i32 to index
    %get3A_249 = arith.constant 16 : index
    %get3A_250 = tpu.vector_load %arg6[%get3A_248, %get3A_249] {strides = array<i32>} : memref<160x128xi32, #tpu.memory_space<vmem>>, vector<1x16xi32>,
    %get3A_251 = vector.shape_cast %get3A_250 : vector<1x16xi32> to vector<16xi32>
    %and3A_252 = arith.constant 16383 : i32
    %and3A_253 = vector.broadcast %and3A_252 : i32 to vector<16xi32>
    %and3A_254 = arith.andi %get3A_251, %and3A_253 : vector<16xi32>
    %add3A_255 = vector.broadcast %mul3A_0 : i32 to vector<16xi32>
    %add3A_256 = arith.addi %and3A_254, %add3A_255 : vector<16xi32>
    %swap3A_257 = arith.constant 1 : i32
    %swap3A_258 = arith.index_cast %swap3A_257 : i32 to index
    %swap3A_259 = arith.constant 16 : index
    %swap3A_260 = tpu.vector_load %arg7[%swap3A_258, %swap3A_259] {strides = array<i32>} : memref<4x128xi32, #tpu.memory_space<vmem>>, vector<1x16xi32>,
    %swap3A_261 = vector.shape_cast %swap3A_260 : vector<1x16xi32> to vector<16xi32>
    %swap3A_262 = vector.shape_cast %add3A_256 : vector<16xi32> to vector<1x16xi32>
    tpu.vector_store %arg7[%swap3A_258, %swap3A_259], %swap3A_262 {strides = array<i32>} : memref<4x128xi32, #tpu.memory_space<vmem>>, vector<1x16xi32>,
    %shift_right_logical3A_263 = arith.constant 14 : i32
    %shift_right_logical3A_264 = vector.broadcast %shift_right_logical3A_263 : i32 to vector<16xi32>
    %shift_right_logical3A_265 = arith.shrui %get3A_251, %shift_right_logical3A_264 : vector<16xi32>
    %swap3A_266 = arith.constant 1 : i32
    %swap3A_267 = arith.index_cast %swap3A_266 : i32 to index
    %swap3A_268 = arith.constant 16 : index
    %swap3A_269 = tpu.vector_load %arg8[%swap3A_267, %swap3A_268] {strides = array<i32>} : memref<4x128xi32, #tpu.memory_space<vmem>>, vector<1x16xi32>,
    %swap3A_270 = vector.shape_cast %swap3A_269 : vector<1x16xi32> to vector<16xi32>
    %swap3A_271 = vector.shape_cast %shift_right_logical3A_265 : vector<16xi32> to vector<1x16xi32>
    tpu.vector_store %arg8[%swap3A_267, %swap3A_268], %swap3A_271 {strides = array<i32>} : memref<4x128xi32, #tpu.memory_space<vmem>>, vector<1x16xi32>,
    %get3A_272 = arith.constant 1 : i32
    %get3A_273 = arith.index_cast %get3A_272 : i32 to index
    %get3A_274 = arith.constant 32 : index
    %get3A_275 = tpu.vector_load %arg6[%get3A_273, %get3A_274] {strides = array<i32>} : memref<160x128xi32, #tpu.memory_space<vmem>>, vector<1x16xi32>,
    %get3A_276 = vector.shape_cast %get3A_275 : vector<1x16xi32> to vector<16xi32>
    %and3A_277 = arith.constant 16383 : i32
    %and3A_278 = vector.broadcast %and3A_277 : i32 to vector<16xi32>
    %and3A_279 = arith.andi %get3A_276, %and3A_278 : vector<16xi32>
    %add3A_280 = vector.broadcast %mul3A_0 : i32 to vector<16xi32>
    %add3A_281 = arith.addi %and3A_279, %add3A_280 : vector<16xi32>
    %swap3A_282 = arith.constant 1 : i32
    %swap3A_283 = arith.index_cast %swap3A_282 : i32 to index
    %swap3A_284 = arith.constant 32 : index
    %swap3A_285 = tpu.vector_load %arg7[%swap3A_283, %swap3A_284] {strides = array<i32>} : memref<4x128xi32, #tpu.memory_space<vmem>>, vector<1x16xi32>,
    %swap3A_286 = vector.shape_cast %swap3A_285 : vector<1x16xi32> to vector<16xi32>
    %swap3A_287 = vector.shape_cast %add3A_281 : vector<16xi32> to vector<1x16xi32>
    tpu.vector_store %arg7[%swap3A_283, %swap3A_284], %swap3A_287 {strides = array<i32>} : memref<4x128xi32, #tpu.memory_space<vmem>>, vector<1x16xi32>,
    %shift_right_logical3A_288 = arith.constant 14 : i32
    %shift_right_logical3A_289 = vector.broadcast %shift_right_logical3A_288 : i32 to vector<16xi32>
    %shift_right_logical3A_290 = arith.shrui %get3A_276, %shift_right_logical3A_289 : vector<16xi32>
    %swap3A_291 = arith.constant 1 : i32
    %swap3A_292 = arith.index_cast %swap3A_291 : i32 to index
    %swap3A_293 = arith.constant 32 : index
    %swap3A_294 = tpu.vector_load %arg8[%swap3A_292, %swap3A_293] {strides = array<i32>} : memref<4x128xi32, #tpu.memory_space<vmem>>, vector<1x16xi32>,
    %swap3A_295 = vector.shape_cast %swap3A_294 : vector<1x16xi32> to vector<16xi32>
    %swap3A_296 = vector.shape_cast %shift_right_logical3A_290 : vector<16xi32> to vector<1x16xi32>
    tpu.vector_store %arg8[%swap3A_292, %swap3A_293], %swap3A_296 {strides = array<i32>} : memref<4x128xi32, #tpu.memory_space<vmem>>, vector<1x16xi32>,
    %get3A_297 = arith.constant 1 : i32
    %get3A_298 = arith.index_cast %get3A_297 : i32 to index
    %get3A_299 = arith.constant 48 : index
    %get3A_300 = tpu.vector_load %arg6[%get3A_298, %get3A_299] {strides = array<i32>} : memref<160x128xi32, #tpu.memory_space<vmem>>, vector<1x16xi32>,
    %get3A_301 = vector.shape_cast %get3A_300 : vector<1x16xi32> to vector<16xi32>
    %and3A_302 = arith.constant 16383 : i32
    %and3A_303 = vector.broadcast %and3A_302 : i32 to vector<16xi32>
    %and3A_304 = arith.andi %get3A_301, %and3A_303 : vector<16xi32>
    %add3A_305 = vector.broadcast %mul3A_0 : i32 to vector<16xi32>
    %add3A_306 = arith.addi %and3A_304, %add3A_305 : vector<16xi32>
    %swap3A_307 = arith.constant 1 : i32
    %swap3A_308 = arith.index_cast %swap3A_307 : i32 to index
    %swap3A_309 = arith.constant 48 : index
    %swap3A_310 = tpu.vector_load %arg7[%swap3A_308, %swap3A_309] {strides = array<i32>} : memref<4x128xi32, #tpu.memory_space<vmem>>, vector<1x16xi32>,
    %swap3A_311 = vector.shape_cast %swap3A_310 : vector<1x16xi32> to vector<16xi32>
    %swap3A_312 = vector.shape_cast %add3A_306 : vector<16xi32> to vector<1x16xi32>
    tpu.vector_store %arg7[%swap3A_308, %swap3A_309], %swap3A_312 {strides = array<i32>} : memref<4x128xi32, #tpu.memory_space<vmem>>, vector<1x16xi32>,
    %shift_right_logical3A_313 = arith.constant 14 : i32
    %shift_right_logical3A_314 = vector.broadcast %shift_right_logical3A_313 : i32 to vector<16xi32>
    %shift_right_logical3A_315 = arith.shrui %get3A_301, %shift_right_logical3A_314 : vector<16xi32>
    %swap3A_316 = arith.constant 1 : i32
    %swap3A_317 = arith.index_cast %swap3A_316 : i32 to index
    %swap3A_318 = arith.constant 48 : index
    %swap3A_319 = tpu.vector_load %arg8[%swap3A_317, %swap3A_318] {strides = array<i32>} : memref<4x128xi32, #tpu.memory_space<vmem>>, vector<1x16xi32>,
    %swap3A_320 = vector.shape_cast %swap3A_319 : vector<1x16xi32> to vector<16xi32>
    %swap3A_321 = vector.shape_cast %shift_right_logical3A_315 : vector<16xi32> to vector<1x16xi32>
    tpu.vector_store %arg8[%swap3A_317, %swap3A_318], %swap3A_321 {strides = array<i32>} : memref<4x128xi32, #tpu.memory_space<vmem>>, vector<1x16xi32>,
    %get3A_322 = arith.constant 1 : i32
    %get3A_323 = arith.index_cast %get3A_322 : i32 to index
    %get3A_324 = arith.constant 64 : index
    %get3A_325 = tpu.vector_load %arg6[%get3A_323, %get3A_324] {strides = array<i32>} : memref<160x128xi32, #tpu.memory_space<vmem>>, vector<1x16xi32>,
    %get3A_326 = vector.shape_cast %get3A_325 : vector<1x16xi32> to vector<16xi32>
    %and3A_327 = arith.constant 16383 : i32
    %and3A_328 = vector.broadcast %and3A_327 : i32 to vector<16xi32>
    %and3A_329 = arith.andi %get3A_326, %and3A_328 : vector<16xi32>
    %add3A_330 = vector.broadcast %mul3A_0 : i32 to vector<16xi32>
    %add3A_331 = arith.addi %and3A_329, %add3A_330 : vector<16xi32>
    %swap3A_332 = arith.constant 1 : i32
    %swap3A_333 = arith.index_cast %swap3A_332 : i32 to index
    %swap3A_334 = arith.constant 64 : index
    %swap3A_335 = tpu.vector_load %arg7[%swap3A_333, %swap3A_334] {strides = array<i32>} : memref<4x128xi32, #tpu.memory_space<vmem>>, vector<1x16xi32>,
    %swap3A_336 = vector.shape_cast %swap3A_335 : vector<1x16xi32> to vector<16xi32>
    %swap3A_337 = vector.shape_cast %add3A_331 : vector<16xi32> to vector<1x16xi32>
    tpu.vector_store %arg7[%swap3A_333, %swap3A_334], %swap3A_337 {strides = array<i32>} : memref<4x128xi32, #tpu.memory_space<vmem>>, vector<1x16xi32>,
    %shift_right_logical3A_338 = arith.constant 14 : i32
    %shift_right_logical3A_339 = vector.broadcast %shift_right_logical3A_338 : i32 to vector<16xi32>
    %shift_right_logical3A_340 = arith.shrui %get3A_326, %shift_right_logical3A_339 : vector<16xi32>
    %swap3A_341 = arith.constant 1 : i32
    %swap3A_342 = arith.index_cast %swap3A_341 : i32 to index
    %swap3A_343 = arith.constant 64 : index
    %swap3A_344 = tpu.vector_load %arg8[%swap3A_342, %swap3A_343] {strides = array<i32>} : memref<4x128xi32, #tpu.memory_space<vmem>>, vector<1x16xi32>,
    %swap3A_345 = vector.shape_cast %swap3A_344 : vector<1x16xi32> to vector<16xi32>
    %swap3A_346 = vector.shape_cast %shift_right_logical3A_340 : vector<16xi32> to vector<1x16xi32>
    tpu.vector_store %arg8[%swap3A_342, %swap3A_343], %swap3A_346 {strides = array<i32>} : memref<4x128xi32, #tpu.memory_space<vmem>>, vector<1x16xi32>,
    %get3A_347 = arith.constant 1 : i32
    %get3A_348 = arith.index_cast %get3A_347 : i32 to index
    %get3A_349 = arith.constant 80 : index
    %get3A_350 = tpu.vector_load %arg6[%get3A_348, %get3A_349] {strides = array<i32>} : memref<160x128xi32, #tpu.memory_space<vmem>>, vector<1x16xi32>,
    %get3A_351 = vector.shape_cast %get3A_350 : vector<1x16xi32> to vector<16xi32>
    %and3A_352 = arith.constant 16383 : i32
    %and3A_353 = vector.broadcast %and3A_352 : i32 to vector<16xi32>
    %and3A_354 = arith.andi %get3A_351, %and3A_353 : vector<16xi32>
    %add3A_355 = vector.broadcast %mul3A_0 : i32 to vector<16xi32>
    %add3A_356 = arith.addi %and3A_354, %add3A_355 : vector<16xi32>
    %swap3A_357 = arith.constant 1 : i32
    %swap3A_358 = arith.index_cast %swap3A_357 : i32 to index
    %swap3A_359 = arith.constant 80 : index
    %swap3A_360 = tpu.vector_load %arg7[%swap3A_358, %swap3A_359] {strides = array<i32>} : memref<4x128xi32, #tpu.memory_space<vmem>>, vector<1x16xi32>,
    %swap3A_361 = vector.shape_cast %swap3A_360 : vector<1x16xi32> to vector<16xi32>
    %swap3A_362 = vector.shape_cast %add3A_356 : vector<16xi32> to vector<1x16xi32>
    tpu.vector_store %arg7[%swap3A_358, %swap3A_359], %swap3A_362 {strides = array<i32>} : memref<4x128xi32, #tpu.memory_space<vmem>>, vector<1x16xi32>,
    %shift_right_logical3A_363 = arith.constant 14 : i32
    %shift_right_logical3A_364 = vector.broadcast %shift_right_logical3A_363 : i32 to vector<16xi32>
    %shift_right_logical3A_365 = arith.shrui %get3A_351, %shift_right_logical3A_364 : vector<16xi32>
    %swap3A_366 = arith.constant 1 : i32
    %swap3A_367 = arith.index_cast %swap3A_366 : i32 to index
    %swap3A_368 = arith.constant 80 : index
    %swap3A_369 = tpu.vector_load %arg8[%swap3A_367, %swap3A_368] {strides = array<i32>} : memref<4x128xi32, #tpu.memory_space<vmem>>, vector<1x16xi32>,
    %swap3A_370 = vector.shape_cast %swap3A_369 : vector<1x16xi32> to vector<16xi32>
    %swap3A_371 = vector.shape_cast %shift_right_logical3A_365 : vector<16xi32> to vector<1x16xi32>
    tpu.vector_store %arg8[%swap3A_367, %swap3A_368], %swap3A_371 {strides = array<i32>} : memref<4x128xi32, #tpu.memory_space<vmem>>, vector<1x16xi32>,
    %get3A_372 = arith.constant 1 : i32
    %get3A_373 = arith.index_cast %get3A_372 : i32 to index
    %get3A_374 = arith.constant 96 : index
    %get3A_375 = tpu.vector_load %arg6[%get3A_373, %get3A_374] {strides = array<i32>} : memref<160x128xi32, #tpu.memory_space<vmem>>, vector<1x16xi32>,
    %get3A_376 = vector.shape_cast %get3A_375 : vector<1x16xi32> to vector<16xi32>
    %and3A_377 = arith.constant 16383 : i32
    %and3A_378 = vector.broadcast %and3A_377 : i32 to vector<16xi32>
    %and3A_379 = arith.andi %get3A_376, %and3A_378 : vector<16xi32>
    %add3A_380 = vector.broadcast %mul3A_0 : i32 to vector<16xi32>
    %add3A_381 = arith.addi %and3A_379, %add3A_380 : vector<16xi32>
    %swap3A_382 = arith.constant 1 : i32
    %swap3A_383 = arith.index_cast %swap3A_382 : i32 to index
    %swap3A_384 = arith.constant 96 : index
    %swap3A_385 = tpu.vector_load %arg7[%swap3A_383, %swap3A_384] {strides = array<i32>} : memref<4x128xi32, #tpu.memory_space<vmem>>, vector<1x16xi32>,
    %swap3A_386 = vector.shape_cast %swap3A_385 : vector<1x16xi32> to vector<16xi32>
    %swap3A_387 = vector.shape_cast %add3A_381 : vector<16xi32> to vector<1x16xi32>
    tpu.vector_store %arg7[%swap3A_383, %swap3A_384], %swap3A_387 {strides = array<i32>} : memref<4x128xi32, #tpu.memory_space<vmem>>, vector<1x16xi32>,
    %shift_right_logical3A_388 = arith.constant 14 : i32
    %shift_right_logical3A_389 = vector.broadcast %shift_right_logical3A_388 : i32 to vector<16xi32>
    %shift_right_logical3A_390 = arith.shrui %get3A_376, %shift_right_logical3A_389 : vector<16xi32>
    %swap3A_391 = arith.constant 1 : i32
    %swap3A_392 = arith.index_cast %swap3A_391 : i32 to index
    %swap3A_393 = arith.constant 96 : index
    %swap3A_394 = tpu.vector_load %arg8[%swap3A_392, %swap3A_393] {strides = array<i32>} : memref<4x128xi32, #tpu.memory_space<vmem>>, vector<1x16xi32>,
    %swap3A_395 = vector.shape_cast %swap3A_394 : vector<1x16xi32> to vector<16xi32>
    %swap3A_396 = vector.shape_cast %shift_right_logical3A_390 : vector<16xi32> to vector<1x16xi32>
    tpu.vector_store %arg8[%swap3A_392, %swap3A_393], %swap3A_396 {strides = array<i32>} : memref<4x128xi32, #tpu.memory_space<vmem>>, vector<1x16xi32>,
    %get3A_397 = arith.constant 1 : i32
    %get3A_398 = arith.index_cast %get3A_397 : i32 to index
    %get3A_399 = arith.constant 112 : index
    %get3A_400 = tpu.vector_load %arg6[%get3A_398, %get3A_399] {strides = array<i32>} : memref<160x128xi32, #tpu.memory_space<vmem>>, vector<1x16xi32>,
    %get3A_401 = vector.shape_cast %get3A_400 : vector<1x16xi32> to vector<16xi32>
    %and3A_402 = arith.constant 16383 : i32
    %and3A_403 = vector.broadcast %and3A_402 : i32 to vector<16xi32>
    %and3A_404 = arith.andi %get3A_401, %and3A_403 : vector<16xi32>
    %add3A_405 = vector.broadcast %mul3A_0 : i32 to vector<16xi32>
    %add3A_406 = arith.addi %and3A_404, %add3A_405 : vector<16xi32>
    %swap3A_407 = arith.constant 1 : i32
    %swap3A_408 = arith.index_cast %swap3A_407 : i32 to index
    %swap3A_409 = arith.constant 112 : index
    %swap3A_410 = tpu.vector_load %arg7[%swap3A_408, %swap3A_409] {strides = array<i32>} : memref<4x128xi32, #tpu.memory_space<vmem>>, vector<1x16xi32>,
    %swap3A_411 = vector.shape_cast %swap3A_410 : vector<1x16xi32> to vector<16xi32>
    %swap3A_412 = vector.shape_cast %add3A_406 : vector<16xi32> to vector<1x16xi32>
    tpu.vector_store %arg7[%swap3A_408, %swap3A_409], %swap3A_412 {strides = array<i32>} : memref<4x128xi32, #tpu.memory_space<vmem>>, vector<1x16xi32>,
    %shift_right_logical3A_413 = arith.constant 14 : i32
    %shift_right_logical3A_414 = vector.broadcast %shift_right_logical3A_413 : i32 to vector<16xi32>
    %shift_right_logical3A_415 = arith.shrui %get3A_401, %shift_right_logical3A_414 : vector<16xi32>
    %swap3A_416 = arith.constant 1 : i32
    %swap3A_417 = arith.index_cast %swap3A_416 : i32 to index
    %swap3A_418 = arith.constant 112 : index
    %swap3A_419 = tpu.vector_load %arg8[%swap3A_417, %swap3A_418] {strides = array<i32>} : memref<4x128xi32, #tpu.memory_space<vmem>>, vector<1x16xi32>,
    %swap3A_420 = vector.shape_cast %swap3A_419 : vector<1x16xi32> to vector<16xi32>
    %swap3A_421 = vector.shape_cast %shift_right_logical3A_415 : vector<16xi32> to vector<1x16xi32>
    tpu.vector_store %arg8[%swap3A_417, %swap3A_418], %swap3A_421 {strides = array<i32>} : memref<4x128xi32, #tpu.memory_space<vmem>>, vector<1x16xi32>,
    %dma_start3A_422 = arith.constant 1 : i32
    %dma_start3A_423 = arith.constant 0 : i32
    %dma_start3A_424 = tpu.memref_slice %arg7[%dma_start3A_422, %dma_start3A_423] : memref<4x128xi32, #tpu.memory_space<vmem>> -> memref<1x128xi32, #tpu.memory_space<vmem>>
    %dma_start3A_425 = tpu.memref_squeeze %dma_start3A_424 : memref<1x128xi32, #tpu.memory_space<vmem>> -> memref<128xi32, #tpu.memory_space<vmem>>
    %dma_start3A_426 = arith.constant 0 : i32
    %dma_start3A_427 = arith.constant 0 : i32
    %dma_start3A_428 = tpu.memref_slice %arg2[%dma_start3A_426, %dma_start3A_427] : memref<20480x64xf32, #tpu.memory_space<hbm>> -> memref<20480x64xf32, #tpu.memory_space<hbm>>
    tpu.enqueue_indirect_dma source(%dma_start3A_428 : memref<20480x64xf32, #tpu.memory_space<hbm>>) target(%arg10 : memref<128x64xf32, #tpu.memory_space<vmem>>) offsets(%dma_start3A_425 : memref<128xi32, #tpu.memory_space<vmem>>) semaphore(%arg16 : memref<!tpu.dma_semaphore, #tpu.memory_space<semaphore_mem>>)
    %get3A_429 = arith.constant 2 : i32
    %get3A_430 = arith.index_cast %get3A_429 : i32 to index
    %get3A_431 = arith.constant 0 : index
    %get3A_432 = tpu.vector_load %arg6[%get3A_430, %get3A_431] {strides = array<i32>} : memref<160x128xi32, #tpu.memory_space<vmem>>, vector<1x16xi32>,
    %get3A_433 = vector.shape_cast %get3A_432 : vector<1x16xi32> to vector<16xi32>
    %and3A_434 = arith.constant 16383 : i32
    %and3A_435 = vector.broadcast %and3A_434 : i32 to vector<16xi32>
    %and3A_436 = arith.andi %get3A_433, %and3A_435 : vector<16xi32>
    %add3A_437 = vector.broadcast %mul3A_0 : i32 to vector<16xi32>
    %add3A_438 = arith.addi %and3A_436, %add3A_437 : vector<16xi32>
    %swap3A_439 = arith.constant 2 : i32
    %swap3A_440 = arith.index_cast %swap3A_439 : i32 to index
    %swap3A_441 = arith.constant 0 : index
    %swap3A_442 = tpu.vector_load %arg7[%swap3A_440, %swap3A_441] {strides = array<i32>} : memref<4x128xi32, #tpu.memory_space<vmem>>, vector<1x16xi32>,
    %swap3A_443 = vector.shape_cast %swap3A_442 : vector<1x16xi32> to vector<16xi32>
    %swap3A_444 = vector.shape_cast %add3A_438 : vector<16xi32> to vector<1x16xi32>
    tpu.vector_store %arg7[%swap3A_440, %swap3A_441], %swap3A_444 {strides = array<i32>} : memref<4x128xi32, #tpu.memory_space<vmem>>, vector<1x16xi32>,
    %shift_right_logical3A_445 = arith.constant 14 : i32
    %shift_right_logical3A_446 = vector.broadcast %shift_right_logical3A_445 : i32 to vector<16xi32>
    %shift_right_logical3A_447 = arith.shrui %get3A_433, %shift_right_logical3A_446 : vector<16xi32>
    %swap3A_448 = arith.constant 2 : i32
    %swap3A_449 = arith.index_cast %swap3A_448 : i32 to index
    %swap3A_450 = arith.constant 0 : index
    %swap3A_451 = tpu.vector_load %arg8[%swap3A_449, %swap3A_450] {strides = array<i32>} : memref<4x128xi32, #tpu.memory_space<vmem>>, vector<1x16xi32>,
    %swap3A_452 = vector.shape_cast %swap3A_451 : vector<1x16xi32> to vector<16xi32>
    %swap3A_453 = vector.shape_cast %shift_right_logical3A_447 : vector<16xi32> to vector<1x16xi32>
    tpu.vector_store %arg8[%swap3A_449, %swap3A_450], %swap3A_453 {strides = array<i32>} : memref<4x128xi32, #tpu.memory_space<vmem>>, vector<1x16xi32>,
    %get3A_454 = arith.constant 2 : i32
    %get3A_455 = arith.index_cast %get3A_454 : i32 to index
    %get3A_456 = arith.constant 16 : index
    %get3A_457 = tpu.vector_load %arg6[%get3A_455, %get3A_456] {strides = array<i32>} : memref<160x128xi32, #tpu.memory_space<vmem>>, vector<1x16xi32>,
    %get3A_458 = vector.shape_cast %get3A_457 : vector<1x16xi32> to vector<16xi32>
    %and3A_459 = arith.constant 16383 : i32
    %and3A_460 = vector.broadcast %and3A_459 : i32 to vector<16xi32>
    %and3A_461 = arith.andi %get3A_458, %and3A_460 : vector<16xi32>
    %add3A_462 = vector.broadcast %mul3A_0 : i32 to vector<16xi32>
    %add3A_463 = arith.addi %and3A_461, %add3A_462 : vector<16xi32>
    %swap3A_464 = arith.constant 2 : i32
    %swap3A_465 = arith.index_cast %swap3A_464 : i32 to index
    %swap3A_466 = arith.constant 16 : index
    %swap3A_467 = tpu.vector_load %arg7[%swap3A_465, %swap3A_466] {strides = array<i32>} : memref<4x128xi32, #tpu.memory_space<vmem>>, vector<1x16xi32>,
    %swap3A_468 = vector.shape_cast %swap3A_467 : vector<1x16xi32> to vector<16xi32>
    %swap3A_469 = vector.shape_cast %add3A_463 : vector<16xi32> to vector<1x16xi32>
    tpu.vector_store %arg7[%swap3A_465, %swap3A_466], %swap3A_469 {strides = array<i32>} : memref<4x128xi32, #tpu.memory_space<vmem>>, vector<1x16xi32>,
    %shift_right_logical3A_470 = arith.constant 14 : i32
    %shift_right_logical3A_471 = vector.broadcast %shift_right_logical3A_470 : i32 to vector<16xi32>
    %shift_right_logical3A_472 = arith.shrui %get3A_458, %shift_right_logical3A_471 : vector<16xi32>
    %swap3A_473 = arith.constant 2 : i32
    %swap3A_474 = arith.index_cast %swap3A_473 : i32 to index
    %swap3A_475 = arith.constant 16 : index
    %swap3A_476 = tpu.vector_load %arg8[%swap3A_474, %swap3A_475] {strides = array<i32>} : memref<4x128xi32, #tpu.memory_space<vmem>>, vector<1x16xi32>,
    %swap3A_477 = vector.shape_cast %swap3A_476 : vector<1x16xi32> to vector<16xi32>
    %swap3A_478 = vector.shape_cast %shift_right_logical3A_472 : vector<16xi32> to vector<1x16xi32>
    tpu.vector_store %arg8[%swap3A_474, %swap3A_475], %swap3A_478 {strides = array<i32>} : memref<4x128xi32, #tpu.memory_space<vmem>>, vector<1x16xi32>,
    %get3A_479 = arith.constant 2 : i32
    %get3A_480 = arith.index_cast %get3A_479 : i32 to index
    %get3A_481 = arith.constant 32 : index
    %get3A_482 = tpu.vector_load %arg6[%get3A_480, %get3A_481] {strides = array<i32>} : memref<160x128xi32, #tpu.memory_space<vmem>>, vector<1x16xi32>,
    %get3A_483 = vector.shape_cast %get3A_482 : vector<1x16xi32> to vector<16xi32>
    %and3A_484 = arith.constant 16383 : i32
    %and3A_485 = vector.broadcast %and3A_484 : i32 to vector<16xi32>
    %and3A_486 = arith.andi %get3A_483, %and3A_485 : vector<16xi32>
    %add3A_487 = vector.broadcast %mul3A_0 : i32 to vector<16xi32>
    %add3A_488 = arith.addi %and3A_486, %add3A_487 : vector<16xi32>
    %swap3A_489 = arith.constant 2 : i32
    %swap3A_490 = arith.index_cast %swap3A_489 : i32 to index
    %swap3A_491 = arith.constant 32 : index
    %swap3A_492 = tpu.vector_load %arg7[%swap3A_490, %swap3A_491] {strides = array<i32>} : memref<4x128xi32, #tpu.memory_space<vmem>>, vector<1x16xi32>,
    %swap3A_493 = vector.shape_cast %swap3A_492 : vector<1x16xi32> to vector<16xi32>
    %swap3A_494 = vector.shape_cast %add3A_488 : vector<16xi32> to vector<1x16xi32>
    tpu.vector_store %arg7[%swap3A_490, %swap3A_491], %swap3A_494 {strides = array<i32>} : memref<4x128xi32, #tpu.memory_space<vmem>>, vector<1x16xi32>,
    %shift_right_logical3A_495 = arith.constant 14 : i32
    %shift_right_logical3A_496 = vector.broadcast %shift_right_logical3A_495 : i32 to vector<16xi32>
    %shift_right_logical3A_497 = arith.shrui %get3A_483, %shift_right_logical3A_496 : vector<16xi32>
    %swap3A_498 = arith.constant 2 : i32
    %swap3A_499 = arith.index_cast %swap3A_498 : i32 to index
    %swap3A_500 = arith.constant 32 : index
    %swap3A_501 = tpu.vector_load %arg8[%swap3A_499, %swap3A_500] {strides = array<i32>} : memref<4x128xi32, #tpu.memory_space<vmem>>, vector<1x16xi32>,
    %swap3A_502 = vector.shape_cast %swap3A_501 : vector<1x16xi32> to vector<16xi32>
    %swap3A_503 = vector.shape_cast %shift_right_logical3A_497 : vector<16xi32> to vector<1x16xi32>
    tpu.vector_store %arg8[%swap3A_499, %swap3A_500], %swap3A_503 {strides = array<i32>} : memref<4x128xi32, #tpu.memory_space<vmem>>, vector<1x16xi32>,
    %get3A_504 = arith.constant 2 : i32
    %get3A_505 = arith.index_cast %get3A_504 : i32 to index
    %get3A_506 = arith.constant 48 : index
    %get3A_507 = tpu.vector_load %arg6[%get3A_505, %get3A_506] {strides = array<i32>} : memref<160x128xi32, #tpu.memory_space<vmem>>, vector<1x16xi32>,
    %get3A_508 = vector.shape_cast %get3A_507 : vector<1x16xi32> to vector<16xi32>
    %and3A_509 = arith.constant 16383 : i32
    %and3A_510 = vector.broadcast %and3A_509 : i32 to vector<16xi32>
    %and3A_511 = arith.andi %get3A_508, %and3A_510 : vector<16xi32>
    %add3A_512 = vector.broadcast %mul3A_0 : i32 to vector<16xi32>
    %add3A_513 = arith.addi %and3A_511, %add3A_512 : vector<16xi32>
    %swap3A_514 = arith.constant 2 : i32
    %swap3A_515 = arith.index_cast %swap3A_514 : i32 to index
    %swap3A_516 = arith.constant 48 : index
    %swap3A_517 = tpu.vector_load %arg7[%swap3A_515, %swap3A_516] {strides = array<i32>} : memref<4x128xi32, #tpu.memory_space<vmem>>, vector<1x16xi32>,
    %swap3A_518 = vector.shape_cast %swap3A_517 : vector<1x16xi32> to vector<16xi32>
    %swap3A_519 = vector.shape_cast %add3A_513 : vector<16xi32> to vector<1x16xi32>
    tpu.vector_store %arg7[%swap3A_515, %swap3A_516], %swap3A_519 {strides = array<i32>} : memref<4x128xi32, #tpu.memory_space<vmem>>, vector<1x16xi32>,
    %shift_right_logical3A_520 = arith.constant 14 : i32
    %shift_right_logical3A_521 = vector.broadcast %shift_right_logical3A_520 : i32 to vector<16xi32>
    %shift_right_logical3A_522 = arith.shrui %get3A_508, %shift_right_logical3A_521 : vector<16xi32>
    %swap3A_523 = arith.constant 2 : i32
    %swap3A_524 = arith.index_cast %swap3A_523 : i32 to index
    %swap3A_525 = arith.constant 48 : index
    %swap3A_526 = tpu.vector_load %arg8[%swap3A_524, %swap3A_525] {strides = array<i32>} : memref<4x128xi32, #tpu.memory_space<vmem>>, vector<1x16xi32>,
    %swap3A_527 = vector.shape_cast %swap3A_526 : vector<1x16xi32> to vector<16xi32>
    %swap3A_528 = vector.shape_cast %shift_right_logical3A_522 : vector<16xi32> to vector<1x16xi32>
    tpu.vector_store %arg8[%swap3A_524, %swap3A_525], %swap3A_528 {strides = array<i32>} : memref<4x128xi32, #tpu.memory_space<vmem>>, vector<1x16xi32>,
    %get3A_529 = arith.constant 2 : i32
    %get3A_530 = arith.index_cast %get3A_529 : i32 to index
    %get3A_531 = arith.constant 64 : index
    %get3A_532 = tpu.vector_load %arg6[%get3A_530, %get3A_531] {strides = array<i32>} : memref<160x128xi32, #tpu.memory_space<vmem>>, vector<1x16xi32>,
    %get3A_533 = vector.shape_cast %get3A_532 : vector<1x16xi32> to vector<16xi32>
    %and3A_534 = arith.constant 16383 : i32
    %and3A_535 = vector.broadcast %and3A_534 : i32 to vector<16xi32>
    %and3A_536 = arith.andi %get3A_533, %and3A_535 : vector<16xi32>
    %add3A_537 = vector.broadcast %mul3A_0 : i32 to vector<16xi32>
    %add3A_538 = arith.addi %and3A_536, %add3A_537 : vector<16xi32>
    %swap3A_539 = arith.constant 2 : i32
    %swap3A_540 = arith.index_cast %swap3A_539 : i32 to index
    %swap3A_541 = arith.constant 64 : index
    %swap3A_542 = tpu.vector_load %arg7[%swap3A_540, %swap3A_541] {strides = array<i32>} : memref<4x128xi32, #tpu.memory_space<vmem>>, vector<1x16xi32>,
    %swap3A_543 = vector.shape_cast %swap3A_542 : vector<1x16xi32> to vector<16xi32>
    %swap3A_544 = vector.shape_cast %add3A_538 : vector<16xi32> to vector<1x16xi32>
    tpu.vector_store %arg7[%swap3A_540, %swap3A_541], %swap3A_544 {strides = array<i32>} : memref<4x128xi32, #tpu.memory_space<vmem>>, vector<1x16xi32>,
    %shift_right_logical3A_545 = arith.constant 14 : i32
    %shift_right_logical3A_546 = vector.broadcast %shift_right_logical3A_545 : i32 to vector<16xi32>
    %shift_right_logical3A_547 = arith.shrui %get3A_533, %shift_right_logical3A_546 : vector<16xi32>
    %swap3A_548 = arith.constant 2 : i32
    %swap3A_549 = arith.index_cast %swap3A_548 : i32 to index
    %swap3A_550 = arith.constant 64 : index
    %swap3A_551 = tpu.vector_load %arg8[%swap3A_549, %swap3A_550] {strides = array<i32>} : memref<4x128xi32, #tpu.memory_space<vmem>>, vector<1x16xi32>,
    %swap3A_552 = vector.shape_cast %swap3A_551 : vector<1x16xi32> to vector<16xi32>
    %swap3A_553 = vector.shape_cast %shift_right_logical3A_547 : vector<16xi32> to vector<1x16xi32>
    tpu.vector_store %arg8[%swap3A_549, %swap3A_550], %swap3A_553 {strides = array<i32>} : memref<4x128xi32, #tpu.memory_space<vmem>>, vector<1x16xi32>,
    %get3A_554 = arith.constant 2 : i32
    %get3A_555 = arith.index_cast %get3A_554 : i32 to index
    %get3A_556 = arith.constant 80 : index
    %get3A_557 = tpu.vector_load %arg6[%get3A_555, %get3A_556] {strides = array<i32>} : memref<160x128xi32, #tpu.memory_space<vmem>>, vector<1x16xi32>,
    %get3A_558 = vector.shape_cast %get3A_557 : vector<1x16xi32> to vector<16xi32>
    %and3A_559 = arith.constant 16383 : i32
    %and3A_560 = vector.broadcast %and3A_559 : i32 to vector<16xi32>
    %and3A_561 = arith.andi %get3A_558, %and3A_560 : vector<16xi32>
    %add3A_562 = vector.broadcast %mul3A_0 : i32 to vector<16xi32>
    %add3A_563 = arith.addi %and3A_561, %add3A_562 : vector<16xi32>
    %swap3A_564 = arith.constant 2 : i32
    %swap3A_565 = arith.index_cast %swap3A_564 : i32 to index
    %swap3A_566 = arith.constant 80 : index
    %swap3A_567 = tpu.vector_load %arg7[%swap3A_565, %swap3A_566] {strides = array<i32>} : memref<4x128xi32, #tpu.memory_space<vmem>>, vector<1x16xi32>,
    %swap3A_568 = vector.shape_cast %swap3A_567 : vector<1x16xi32> to vector<16xi32>
    %swap3A_569 = vector.shape_cast %add3A_563 : vector<16xi32> to vector<1x16xi32>
    tpu.vector_store %arg7[%swap3A_565, %swap3A_566], %swap3A_569 {strides = array<i32>} : memref<4x128xi32, #tpu.memory_space<vmem>>, vector<1x16xi32>,
    %shift_right_logical3A_570 = arith.constant 14 : i32
    %shift_right_logical3A_571 = vector.broadcast %shift_right_logical3A_570 : i32 to vector<16xi32>
    %shift_right_logical3A_572 = arith.shrui %get3A_558, %shift_right_logical3A_571 : vector<16xi32>
    %swap3A_573 = arith.constant 2 : i32
    %swap3A_574 = arith.index_cast %swap3A_573 : i32 to index
    %swap3A_575 = arith.constant 80 : index
    %swap3A_576 = tpu.vector_load %arg8[%swap3A_574, %swap3A_575] {strides = array<i32>} : memref<4x128xi32, #tpu.memory_space<vmem>>, vector<1x16xi32>,
    %swap3A_577 = vector.shape_cast %swap3A_576 : vector<1x16xi32> to vector<16xi32>
    %swap3A_578 = vector.shape_cast %shift_right_logical3A_572 : vector<16xi32> to vector<1x16xi32>
    tpu.vector_store %arg8[%swap3A_574, %swap3A_575], %swap3A_578 {strides = array<i32>} : memref<4x128xi32, #tpu.memory_space<vmem>>, vector<1x16xi32>,
    %get3A_579 = arith.constant 2 : i32
    %get3A_580 = arith.index_cast %get3A_579 : i32 to index
    %get3A_581 = arith.constant 96 : index
    %get3A_582 = tpu.vector_load %arg6[%get3A_580, %get3A_581] {strides = array<i32>} : memref<160x128xi32, #tpu.memory_space<vmem>>, vector<1x16xi32>,
    %get3A_583 = vector.shape_cast %get3A_582 : vector<1x16xi32> to vector<16xi32>
    %and3A_584 = arith.constant 16383 : i32
    %and3A_585 = vector.broadcast %and3A_584 : i32 to vector<16xi32>
    %and3A_586 = arith.andi %get3A_583, %and3A_585 : vector<16xi32>
    %add3A_587 = vector.broadcast %mul3A_0 : i32 to vector<16xi32>
    %add3A_588 = arith.addi %and3A_586, %add3A_587 : vector<16xi32>
    %swap3A_589 = arith.constant 2 : i32
    %swap3A_590 = arith.index_cast %swap3A_589 : i32 to index
    %swap3A_591 = arith.constant 96 : index
    %swap3A_592 = tpu.vector_load %arg7[%swap3A_590, %swap3A_591] {strides = array<i32>} : memref<4x128xi32, #tpu.memory_space<vmem>>, vector<1x16xi32>,
    %swap3A_593 = vector.shape_cast %swap3A_592 : vector<1x16xi32> to vector<16xi32>
    %swap3A_594 = vector.shape_cast %add3A_588 : vector<16xi32> to vector<1x16xi32>
    tpu.vector_store %arg7[%swap3A_590, %swap3A_591], %swap3A_594 {strides = array<i32>} : memref<4x128xi32, #tpu.memory_space<vmem>>, vector<1x16xi32>,
    %shift_right_logical3A_595 = arith.constant 14 : i32
    %shift_right_logical3A_596 = vector.broadcast %shift_right_logical3A_595 : i32 to vector<16xi32>
    %shift_right_logical3A_597 = arith.shrui %get3A_583, %shift_right_logical3A_596 : vector<16xi32>
    %swap3A_598 = arith.constant 2 : i32
    %swap3A_599 = arith.index_cast %swap3A_598 : i32 to index
    %swap3A_600 = arith.constant 96 : index
    %swap3A_601 = tpu.vector_load %arg8[%swap3A_599, %swap3A_600] {strides = array<i32>} : memref<4x128xi32, #tpu.memory_space<vmem>>, vector<1x16xi32>,
    %swap3A_602 = vector.shape_cast %swap3A_601 : vector<1x16xi32> to vector<16xi32>
    %swap3A_603 = vector.shape_cast %shift_right_logical3A_597 : vector<16xi32> to vector<1x16xi32>
    tpu.vector_store %arg8[%swap3A_599, %swap3A_600], %swap3A_603 {strides = array<i32>} : memref<4x128xi32, #tpu.memory_space<vmem>>, vector<1x16xi32>,
    %get3A_604 = arith.constant 2 : i32
    %get3A_605 = arith.index_cast %get3A_604 : i32 to index
    %get3A_606 = arith.constant 112 : index
    %get3A_607 = tpu.vector_load %arg6[%get3A_605, %get3A_606] {strides = array<i32>} : memref<160x128xi32, #tpu.memory_space<vmem>>, vector<1x16xi32>,
    %get3A_608 = vector.shape_cast %get3A_607 : vector<1x16xi32> to vector<16xi32>
    %and3A_609 = arith.constant 16383 : i32
    %and3A_610 = vector.broadcast %and3A_609 : i32 to vector<16xi32>
    %and3A_611 = arith.andi %get3A_608, %and3A_610 : vector<16xi32>
    %add3A_612 = vector.broadcast %mul3A_0 : i32 to vector<16xi32>
    %add3A_613 = arith.addi %and3A_611, %add3A_612 : vector<16xi32>
    %swap3A_614 = arith.constant 2 : i32
    %swap3A_615 = arith.index_cast %swap3A_614 : i32 to index
    %swap3A_616 = arith.constant 112 : index
    %swap3A_617 = tpu.vector_load %arg7[%swap3A_615, %swap3A_616] {strides = array<i32>} : memref<4x128xi32, #tpu.memory_space<vmem>>, vector<1x16xi32>,
    %swap3A_618 = vector.shape_cast %swap3A_617 : vector<1x16xi32> to vector<16xi32>
    %swap3A_619 = vector.shape_cast %add3A_613 : vector<16xi32> to vector<1x16xi32>
    tpu.vector_store %arg7[%swap3A_615, %swap3A_616], %swap3A_619 {strides = array<i32>} : memref<4x128xi32, #tpu.memory_space<vmem>>, vector<1x16xi32>,
    %shift_right_logical3A_620 = arith.constant 14 : i32
    %shift_right_logical3A_621 = vector.broadcast %shift_right_logical3A_620 : i32 to vector<16xi32>
    %shift_right_logical3A_622 = arith.shrui %get3A_608, %shift_right_logical3A_621 : vector<16xi32>
    %swap3A_623 = arith.constant 2 : i32
    %swap3A_624 = arith.index_cast %swap3A_623 : i32 to index
    %swap3A_625 = arith.constant 112 : index
    %swap3A_626 = tpu.vector_load %arg8[%swap3A_624, %swap3A_625] {strides = array<i32>} : memref<4x128xi32, #tpu.memory_space<vmem>>, vector<1x16xi32>,
    %swap3A_627 = vector.shape_cast %swap3A_626 : vector<1x16xi32> to vector<16xi32>
    %swap3A_628 = vector.shape_cast %shift_right_logical3A_622 : vector<16xi32> to vector<1x16xi32>
    tpu.vector_store %arg8[%swap3A_624, %swap3A_625], %swap3A_628 {strides = array<i32>} : memref<4x128xi32, #tpu.memory_space<vmem>>, vector<1x16xi32>,
    %dma_start3A_629 = arith.constant 2 : i32
    %dma_start3A_630 = arith.constant 0 : i32
    %dma_start3A_631 = tpu.memref_slice %arg7[%dma_start3A_629, %dma_start3A_630] : memref<4x128xi32, #tpu.memory_space<vmem>> -> memref<1x128xi32, #tpu.memory_space<vmem>>
    %dma_start3A_632 = tpu.memref_squeeze %dma_start3A_631 : memref<1x128xi32, #tpu.memory_space<vmem>> -> memref<128xi32, #tpu.memory_space<vmem>>
    %dma_start3A_633 = arith.constant 0 : i32
    %dma_start3A_634 = arith.constant 0 : i32
    %dma_start3A_635 = tpu.memref_slice %arg2[%dma_start3A_633, %dma_start3A_634] : memref<20480x64xf32, #tpu.memory_space<hbm>> -> memref<20480x64xf32, #tpu.memory_space<hbm>>
    tpu.enqueue_indirect_dma source(%dma_start3A_635 : memref<20480x64xf32, #tpu.memory_space<hbm>>) target(%arg11 : memref<128x64xf32, #tpu.memory_space<vmem>>) offsets(%dma_start3A_632 : memref<128xi32, #tpu.memory_space<vmem>>) semaphore(%arg17 : memref<!tpu.dma_semaphore, #tpu.memory_space<semaphore_mem>>)
    %scan3A = arith.constant 0 : i32
    %scan3A_636 = arith.constant 0 : i32
    %scan3A_637 = arith.constant 40 : i32
    %scan3A_638 = arith.addi %scan3A_636, %scan3A_637 : i32
    %scan3A_639 = arith.constant 1 : i32
    scf.for %scan3A_644 = %scan3A_636 to %scan3A_638 step %scan3A_639  : i32 {
      %mul3A_645 = arith.constant 4 : i32
      %mul3A_646 = arith.muli %scan3A_644, %mul3A_645 : i32
      %add3A_647 = arith.constant 0 : i32
      %add3A_648 = arith.addi %mul3A_646, %add3A_647 : i32
      %add3A_649 = arith.constant 4 : i32
      %add3A_650 = arith.addi %add3A_648, %add3A_649 : i32
      %sub3A = arith.constant 1 : i32
      %sub3A_651 = arith.subi %add3A_650, %sub3A : i32
      %lt3A = arith.constant 160 : i32
      %lt3A_652 = arith.cmpi slt, %sub3A_651, %lt3A : i32
      %convert_element_type3A = arith.extui %lt3A_652 : i1 to i32
      %cond3A = arith.constant 0 : i32
      %cond3A_653 = arith.cmpi ne, %convert_element_type3A, %cond3A : i32
      scf.if %cond3A_653 {
        %add3A_713 = arith.constant 4 : i32
        %add3A_714 = arith.addi %add3A_648, %add3A_713 : i32
        %sub3A_715 = arith.constant 1 : i32
        %sub3A_716 = arith.subi %add3A_714, %sub3A_715 : i32
        %get3A_717 = arith.index_cast %sub3A_716 : i32 to index
        %get3A_718 = arith.constant 0 : index
        %get3A_719 = tpu.vector_load %arg6[%get3A_717, %get3A_718] {strides = array<i32>} : memref<160x128xi32, #tpu.memory_space<vmem>>, vector<1x16xi32>,
        %get3A_720 = vector.shape_cast %get3A_719 : vector<1x16xi32> to vector<16xi32>
        %and3A_721 = arith.constant 16383 : i32
        %and3A_722 = vector.broadcast %and3A_721 : i32 to vector<16xi32>
        %and3A_723 = arith.andi %get3A_720, %and3A_722 : vector<16xi32>
        %add3A_724 = vector.broadcast %mul3A_0 : i32 to vector<16xi32>
        %add3A_725 = arith.addi %and3A_723, %add3A_724 : vector<16xi32>
        %swap3A_726 = arith.constant 3 : i32
        %swap3A_727 = arith.index_cast %swap3A_726 : i32 to index
        %swap3A_728 = arith.constant 0 : index
        %swap3A_729 = tpu.vector_load %arg7[%swap3A_727, %swap3A_728] {strides = array<i32>} : memref<4x128xi32, #tpu.memory_space<vmem>>, vector<1x16xi32>,
        %swap3A_730 = vector.shape_cast %swap3A_729 : vector<1x16xi32> to vector<16xi32>
        %swap3A_731 = vector.shape_cast %add3A_725 : vector<16xi32> to vector<1x16xi32>
        tpu.vector_store %arg7[%swap3A_727, %swap3A_728], %swap3A_731 {strides = array<i32>} : memref<4x128xi32, #tpu.memory_space<vmem>>, vector<1x16xi32>,
        %shift_right_logical3A_732 = arith.constant 14 : i32
        %shift_right_logical3A_733 = vector.broadcast %shift_right_logical3A_732 : i32 to vector<16xi32>
        %shift_right_logical3A_734 = arith.shrui %get3A_720, %shift_right_logical3A_733 : vector<16xi32>
        %swap3A_735 = arith.constant 3 : i32
        %swap3A_736 = arith.index_cast %swap3A_735 : i32 to index
        %swap3A_737 = arith.constant 0 : index
        %swap3A_738 = tpu.vector_load %arg8[%swap3A_736, %swap3A_737] {strides = array<i32>} : memref<4x128xi32, #tpu.memory_space<vmem>>, vector<1x16xi32>,
        %swap3A_739 = vector.shape_cast %swap3A_738 : vector<1x16xi32> to vector<16xi32>
        %swap3A_740 = vector.shape_cast %shift_right_logical3A_734 : vector<16xi32> to vector<1x16xi32>
        tpu.vector_store %arg8[%swap3A_736, %swap3A_737], %swap3A_740 {strides = array<i32>} : memref<4x128xi32, #tpu.memory_space<vmem>>, vector<1x16xi32>,
        %get3A_741 = arith.index_cast %sub3A_716 : i32 to index
        %get3A_742 = arith.constant 16 : index
        %get3A_743 = tpu.vector_load %arg6[%get3A_741, %get3A_742] {strides = array<i32>} : memref<160x128xi32, #tpu.memory_space<vmem>>, vector<1x16xi32>,
        %get3A_744 = vector.shape_cast %get3A_743 : vector<1x16xi32> to vector<16xi32>
        %and3A_745 = arith.constant 16383 : i32
        %and3A_746 = vector.broadcast %and3A_745 : i32 to vector<16xi32>
        %and3A_747 = arith.andi %get3A_744, %and3A_746 : vector<16xi32>
        %add3A_748 = vector.broadcast %mul3A_0 : i32 to vector<16xi32>
        %add3A_749 = arith.addi %and3A_747, %add3A_748 : vector<16xi32>
        %swap3A_750 = arith.constant 3 : i32
        %swap3A_751 = arith.index_cast %swap3A_750 : i32 to index
        %swap3A_752 = arith.constant 16 : index
        %swap3A_753 = tpu.vector_load %arg7[%swap3A_751, %swap3A_752] {strides = array<i32>} : memref<4x128xi32, #tpu.memory_space<vmem>>, vector<1x16xi32>,
        %swap3A_754 = vector.shape_cast %swap3A_753 : vector<1x16xi32> to vector<16xi32>
        %swap3A_755 = vector.shape_cast %add3A_749 : vector<16xi32> to vector<1x16xi32>
        tpu.vector_store %arg7[%swap3A_751, %swap3A_752], %swap3A_755 {strides = array<i32>} : memref<4x128xi32, #tpu.memory_space<vmem>>, vector<1x16xi32>,
        %shift_right_logical3A_756 = arith.constant 14 : i32
        %shift_right_logical3A_757 = vector.broadcast %shift_right_logical3A_756 : i32 to vector<16xi32>
        %shift_right_logical3A_758 = arith.shrui %get3A_744, %shift_right_logical3A_757 : vector<16xi32>
        %swap3A_759 = arith.constant 3 : i32
        %swap3A_760 = arith.index_cast %swap3A_759 : i32 to index
        %swap3A_761 = arith.constant 16 : index
        %swap3A_762 = tpu.vector_load %arg8[%swap3A_760, %swap3A_761] {strides = array<i32>} : memref<4x128xi32, #tpu.memory_space<vmem>>, vector<1x16xi32>,
        %swap3A_763 = vector.shape_cast %swap3A_762 : vector<1x16xi32> to vector<16xi32>
        %swap3A_764 = vector.shape_cast %shift_right_logical3A_758 : vector<16xi32> to vector<1x16xi32>
        tpu.vector_store %arg8[%swap3A_760, %swap3A_761], %swap3A_764 {strides = array<i32>} : memref<4x128xi32, #tpu.memory_space<vmem>>, vector<1x16xi32>,
        %get3A_765 = arith.index_cast %sub3A_716 : i32 to index
        %get3A_766 = arith.constant 32 : index
        %get3A_767 = tpu.vector_load %arg6[%get3A_765, %get3A_766] {strides = array<i32>} : memref<160x128xi32, #tpu.memory_space<vmem>>, vector<1x16xi32>,
        %get3A_768 = vector.shape_cast %get3A_767 : vector<1x16xi32> to vector<16xi32>
        %and3A_769 = arith.constant 16383 : i32
        %and3A_770 = vector.broadcast %and3A_769 : i32 to vector<16xi32>
        %and3A_771 = arith.andi %get3A_768, %and3A_770 : vector<16xi32>
        %add3A_772 = vector.broadcast %mul3A_0 : i32 to vector<16xi32>
        %add3A_773 = arith.addi %and3A_771, %add3A_772 : vector<16xi32>
        %swap3A_774 = arith.constant 3 : i32
        %swap3A_775 = arith.index_cast %swap3A_774 : i32 to index
        %swap3A_776 = arith.constant 32 : index
        %swap3A_777 = tpu.vector_load %arg7[%swap3A_775, %swap3A_776] {strides = array<i32>} : memref<4x128xi32, #tpu.memory_space<vmem>>, vector<1x16xi32>,
        %swap3A_778 = vector.shape_cast %swap3A_777 : vector<1x16xi32> to vector<16xi32>
        %swap3A_779 = vector.shape_cast %add3A_773 : vector<16xi32> to vector<1x16xi32>
        tpu.vector_store %arg7[%swap3A_775, %swap3A_776], %swap3A_779 {strides = array<i32>} : memref<4x128xi32, #tpu.memory_space<vmem>>, vector<1x16xi32>,
        %shift_right_logical3A_780 = arith.constant 14 : i32
        %shift_right_logical3A_781 = vector.broadcast %shift_right_logical3A_780 : i32 to vector<16xi32>
        %shift_right_logical3A_782 = arith.shrui %get3A_768, %shift_right_logical3A_781 : vector<16xi32>
        %swap3A_783 = arith.constant 3 : i32
        %swap3A_784 = arith.index_cast %swap3A_783 : i32 to index
        %swap3A_785 = arith.constant 32 : index
        %swap3A_786 = tpu.vector_load %arg8[%swap3A_784, %swap3A_785] {strides = array<i32>} : memref<4x128xi32, #tpu.memory_space<vmem>>, vector<1x16xi32>,
        %swap3A_787 = vector.shape_cast %swap3A_786 : vector<1x16xi32> to vector<16xi32>
        %swap3A_788 = vector.shape_cast %shift_right_logical3A_782 : vector<16xi32> to vector<1x16xi32>
        tpu.vector_store %arg8[%swap3A_784, %swap3A_785], %swap3A_788 {strides = array<i32>} : memref<4x128xi32, #tpu.memory_space<vmem>>, vector<1x16xi32>,
        %get3A_789 = arith.index_cast %sub3A_716 : i32 to index
        %get3A_790 = arith.constant 48 : index
        %get3A_791 = tpu.vector_load %arg6[%get3A_789, %get3A_790] {strides = array<i32>} : memref<160x128xi32, #tpu.memory_space<vmem>>, vector<1x16xi32>,
        %get3A_792 = vector.shape_cast %get3A_791 : vector<1x16xi32> to vector<16xi32>
        %and3A_793 = arith.constant 16383 : i32
        %and3A_794 = vector.broadcast %and3A_793 : i32 to vector<16xi32>
        %and3A_795 = arith.andi %get3A_792, %and3A_794 : vector<16xi32>
        %add3A_796 = vector.broadcast %mul3A_0 : i32 to vector<16xi32>
        %add3A_797 = arith.addi %and3A_795, %add3A_796 : vector<16xi32>
        %swap3A_798 = arith.constant 3 : i32
        %swap3A_799 = arith.index_cast %swap3A_798 : i32 to index
        %swap3A_800 = arith.constant 48 : index
        %swap3A_801 = tpu.vector_load %arg7[%swap3A_799, %swap3A_800] {strides = array<i32>} : memref<4x128xi32, #tpu.memory_space<vmem>>, vector<1x16xi32>,
        %swap3A_802 = vector.shape_cast %swap3A_801 : vector<1x16xi32> to vector<16xi32>
        %swap3A_803 = vector.shape_cast %add3A_797 : vector<16xi32> to vector<1x16xi32>
        tpu.vector_store %arg7[%swap3A_799, %swap3A_800], %swap3A_803 {strides = array<i32>} : memref<4x128xi32, #tpu.memory_space<vmem>>, vector<1x16xi32>,
        %shift_right_logical3A_804 = arith.constant 14 : i32
        %shift_right_logical3A_805 = vector.broadcast %shift_right_logical3A_804 : i32 to vector<16xi32>
        %shift_right_logical3A_806 = arith.shrui %get3A_792, %shift_right_logical3A_805 : vector<16xi32>
        %swap3A_807 = arith.constant 3 : i32
        %swap3A_808 = arith.index_cast %swap3A_807 : i32 to index
        %swap3A_809 = arith.constant 48 : index
        %swap3A_810 = tpu.vector_load %arg8[%swap3A_808, %swap3A_809] {strides = array<i32>} : memref<4x128xi32, #tpu.memory_space<vmem>>, vector<1x16xi32>,
        %swap3A_811 = vector.shape_cast %swap3A_810 : vector<1x16xi32> to vector<16xi32>
        %swap3A_812 = vector.shape_cast %shift_right_logical3A_806 : vector<16xi32> to vector<1x16xi32>
        tpu.vector_store %arg8[%swap3A_808, %swap3A_809], %swap3A_812 {strides = array<i32>} : memref<4x128xi32, #tpu.memory_space<vmem>>, vector<1x16xi32>,
        %get3A_813 = arith.index_cast %sub3A_716 : i32 to index
        %get3A_814 = arith.constant 64 : index
        %get3A_815 = tpu.vector_load %arg6[%get3A_813, %get3A_814] {strides = array<i32>} : memref<160x128xi32, #tpu.memory_space<vmem>>, vector<1x16xi32>,
        %get3A_816 = vector.shape_cast %get3A_815 : vector<1x16xi32> to vector<16xi32>
        %and3A_817 = arith.constant 16383 : i32
        %and3A_818 = vector.broadcast %and3A_817 : i32 to vector<16xi32>
        %and3A_819 = arith.andi %get3A_816, %and3A_818 : vector<16xi32>
        %add3A_820 = vector.broadcast %mul3A_0 : i32 to vector<16xi32>
        %add3A_821 = arith.addi %and3A_819, %add3A_820 : vector<16xi32>
        %swap3A_822 = arith.constant 3 : i32
        %swap3A_823 = arith.index_cast %swap3A_822 : i32 to index
        %swap3A_824 = arith.constant 64 : index
        %swap3A_825 = tpu.vector_load %arg7[%swap3A_823, %swap3A_824] {strides = array<i32>} : memref<4x128xi32, #tpu.memory_space<vmem>>, vector<1x16xi32>,
        %swap3A_826 = vector.shape_cast %swap3A_825 : vector<1x16xi32> to vector<16xi32>
        %swap3A_827 = vector.shape_cast %add3A_821 : vector<16xi32> to vector<1x16xi32>
        tpu.vector_store %arg7[%swap3A_823, %swap3A_824], %swap3A_827 {strides = array<i32>} : memref<4x128xi32, #tpu.memory_space<vmem>>, vector<1x16xi32>,
        %shift_right_logical3A_828 = arith.constant 14 : i32
        %shift_right_logical3A_829 = vector.broadcast %shift_right_logical3A_828 : i32 to vector<16xi32>
        %shift_right_logical3A_830 = arith.shrui %get3A_816, %shift_right_logical3A_829 : vector<16xi32>
        %swap3A_831 = arith.constant 3 : i32
        %swap3A_832 = arith.index_cast %swap3A_831 : i32 to index
        %swap3A_833 = arith.constant 64 : index
        %swap3A_834 = tpu.vector_load %arg8[%swap3A_832, %swap3A_833] {strides = array<i32>} : memref<4x128xi32, #tpu.memory_space<vmem>>, vector<1x16xi32>,
        %swap3A_835 = vector.shape_cast %swap3A_834 : vector<1x16xi32> to vector<16xi32>
        %swap3A_836 = vector.shape_cast %shift_right_logical3A_830 : vector<16xi32> to vector<1x16xi32>
        tpu.vector_store %arg8[%swap3A_832, %swap3A_833], %swap3A_836 {strides = array<i32>} : memref<4x128xi32, #tpu.memory_space<vmem>>, vector<1x16xi32>,
        %get3A_837 = arith.index_cast %sub3A_716 : i32 to index
        %get3A_838 = arith.constant 80 : index
        %get3A_839 = tpu.vector_load %arg6[%get3A_837, %get3A_838] {strides = array<i32>} : memref<160x128xi32, #tpu.memory_space<vmem>>, vector<1x16xi32>,
        %get3A_840 = vector.shape_cast %get3A_839 : vector<1x16xi32> to vector<16xi32>
        %and3A_841 = arith.constant 16383 : i32
        %and3A_842 = vector.broadcast %and3A_841 : i32 to vector<16xi32>
        %and3A_843 = arith.andi %get3A_840, %and3A_842 : vector<16xi32>
        %add3A_844 = vector.broadcast %mul3A_0 : i32 to vector<16xi32>
        %add3A_845 = arith.addi %and3A_843, %add3A_844 : vector<16xi32>
        %swap3A_846 = arith.constant 3 : i32
        %swap3A_847 = arith.index_cast %swap3A_846 : i32 to index
        %swap3A_848 = arith.constant 80 : index
        %swap3A_849 = tpu.vector_load %arg7[%swap3A_847, %swap3A_848] {strides = array<i32>} : memref<4x128xi32, #tpu.memory_space<vmem>>, vector<1x16xi32>,
        %swap3A_850 = vector.shape_cast %swap3A_849 : vector<1x16xi32> to vector<16xi32>
        %swap3A_851 = vector.shape_cast %add3A_845 : vector<16xi32> to vector<1x16xi32>
        tpu.vector_store %arg7[%swap3A_847, %swap3A_848], %swap3A_851 {strides = array<i32>} : memref<4x128xi32, #tpu.memory_space<vmem>>, vector<1x16xi32>,
        %shift_right_logical3A_852 = arith.constant 14 : i32
        %shift_right_logical3A_853 = vector.broadcast %shift_right_logical3A_852 : i32 to vector<16xi32>
        %shift_right_logical3A_854 = arith.shrui %get3A_840, %shift_right_logical3A_853 : vector<16xi32>
        %swap3A_855 = arith.constant 3 : i32
        %swap3A_856 = arith.index_cast %swap3A_855 : i32 to index
        %swap3A_857 = arith.constant 80 : index
        %swap3A_858 = tpu.vector_load %arg8[%swap3A_856, %swap3A_857] {strides = array<i32>} : memref<4x128xi32, #tpu.memory_space<vmem>>, vector<1x16xi32>,
        %swap3A_859 = vector.shape_cast %swap3A_858 : vector<1x16xi32> to vector<16xi32>
        %swap3A_860 = vector.shape_cast %shift_right_logical3A_854 : vector<16xi32> to vector<1x16xi32>
        tpu.vector_store %arg8[%swap3A_856, %swap3A_857], %swap3A_860 {strides = array<i32>} : memref<4x128xi32, #tpu.memory_space<vmem>>, vector<1x16xi32>,
        %get3A_861 = arith.index_cast %sub3A_716 : i32 to index
        %get3A_862 = arith.constant 96 : index
        %get3A_863 = tpu.vector_load %arg6[%get3A_861, %get3A_862] {strides = array<i32>} : memref<160x128xi32, #tpu.memory_space<vmem>>, vector<1x16xi32>,
        %get3A_864 = vector.shape_cast %get3A_863 : vector<1x16xi32> to vector<16xi32>
        %and3A_865 = arith.constant 16383 : i32
        %and3A_866 = vector.broadcast %and3A_865 : i32 to vector<16xi32>
        %and3A_867 = arith.andi %get3A_864, %and3A_866 : vector<16xi32>
        %add3A_868 = vector.broadcast %mul3A_0 : i32 to vector<16xi32>
        %add3A_869 = arith.addi %and3A_867, %add3A_868 : vector<16xi32>
        %swap3A_870 = arith.constant 3 : i32
        %swap3A_871 = arith.index_cast %swap3A_870 : i32 to index
        %swap3A_872 = arith.constant 96 : index
        %swap3A_873 = tpu.vector_load %arg7[%swap3A_871, %swap3A_872] {strides = array<i32>} : memref<4x128xi32, #tpu.memory_space<vmem>>, vector<1x16xi32>,
        %swap3A_874 = vector.shape_cast %swap3A_873 : vector<1x16xi32> to vector<16xi32>
        %swap3A_875 = vector.shape_cast %add3A_869 : vector<16xi32> to vector<1x16xi32>
        tpu.vector_store %arg7[%swap3A_871, %swap3A_872], %swap3A_875 {strides = array<i32>} : memref<4x128xi32, #tpu.memory_space<vmem>>, vector<1x16xi32>,
        %shift_right_logical3A_876 = arith.constant 14 : i32
        %shift_right_logical3A_877 = vector.broadcast %shift_right_logical3A_876 : i32 to vector<16xi32>
        %shift_right_logical3A_878 = arith.shrui %get3A_864, %shift_right_logical3A_877 : vector<16xi32>
        %swap3A_879 = arith.constant 3 : i32
        %swap3A_880 = arith.index_cast %swap3A_879 : i32 to index
        %swap3A_881 = arith.constant 96 : index
        %swap3A_882 = tpu.vector_load %arg8[%swap3A_880, %swap3A_881] {strides = array<i32>} : memref<4x128xi32, #tpu.memory_space<vmem>>, vector<1x16xi32>,
        %swap3A_883 = vector.shape_cast %swap3A_882 : vector<1x16xi32> to vector<16xi32>
        %swap3A_884 = vector.shape_cast %shift_right_logical3A_878 : vector<16xi32> to vector<1x16xi32>
        tpu.vector_store %arg8[%swap3A_880, %swap3A_881], %swap3A_884 {strides = array<i32>} : memref<4x128xi32, #tpu.memory_space<vmem>>, vector<1x16xi32>,
        %get3A_885 = arith.index_cast %sub3A_716 : i32 to index
        %get3A_886 = arith.constant 112 : index
        %get3A_887 = tpu.vector_load %arg6[%get3A_885, %get3A_886] {strides = array<i32>} : memref<160x128xi32, #tpu.memory_space<vmem>>, vector<1x16xi32>,
        %get3A_888 = vector.shape_cast %get3A_887 : vector<1x16xi32> to vector<16xi32>
        %and3A_889 = arith.constant 16383 : i32
        %and3A_890 = vector.broadcast %and3A_889 : i32 to vector<16xi32>
        %and3A_891 = arith.andi %get3A_888, %and3A_890 : vector<16xi32>
        %add3A_892 = vector.broadcast %mul3A_0 : i32 to vector<16xi32>
        %add3A_893 = arith.addi %and3A_891, %add3A_892 : vector<16xi32>
        %swap3A_894 = arith.constant 3 : i32
        %swap3A_895 = arith.index_cast %swap3A_894 : i32 to index
        %swap3A_896 = arith.constant 112 : index
        %swap3A_897 = tpu.vector_load %arg7[%swap3A_895, %swap3A_896] {strides = array<i32>} : memref<4x128xi32, #tpu.memory_space<vmem>>, vector<1x16xi32>,
        %swap3A_898 = vector.shape_cast %swap3A_897 : vector<1x16xi32> to vector<16xi32>
        %swap3A_899 = vector.shape_cast %add3A_893 : vector<16xi32> to vector<1x16xi32>
        tpu.vector_store %arg7[%swap3A_895, %swap3A_896], %swap3A_899 {strides = array<i32>} : memref<4x128xi32, #tpu.memory_space<vmem>>, vector<1x16xi32>,
        %shift_right_logical3A_900 = arith.constant 14 : i32
        %shift_right_logical3A_901 = vector.broadcast %shift_right_logical3A_900 : i32 to vector<16xi32>
        %shift_right_logical3A_902 = arith.shrui %get3A_888, %shift_right_logical3A_901 : vector<16xi32>
        %swap3A_903 = arith.constant 3 : i32
        %swap3A_904 = arith.index_cast %swap3A_903 : i32 to index
        %swap3A_905 = arith.constant 112 : index
        %swap3A_906 = tpu.vector_load %arg8[%swap3A_904, %swap3A_905] {strides = array<i32>} : memref<4x128xi32, #tpu.memory_space<vmem>>, vector<1x16xi32>,
        %swap3A_907 = vector.shape_cast %swap3A_906 : vector<1x16xi32> to vector<16xi32>
        %swap3A_908 = vector.shape_cast %shift_right_logical3A_902 : vector<16xi32> to vector<1x16xi32>
        tpu.vector_store %arg8[%swap3A_904, %swap3A_905], %swap3A_908 {strides = array<i32>} : memref<4x128xi32, #tpu.memory_space<vmem>>, vector<1x16xi32>,
        %add3A_909 = arith.constant 4 : i32
        %add3A_910 = arith.addi %add3A_648, %add3A_909 : i32
        %sub3A_911 = arith.constant 1 : i32
        %sub3A_912 = arith.subi %add3A_910, %sub3A_911 : i32
        %dma_start3A_913 = arith.constant 3 : i32
        %dma_start3A_914 = arith.constant 0 : i32
        %dma_start3A_915 = tpu.memref_slice %arg7[%dma_start3A_913, %dma_start3A_914] : memref<4x128xi32, #tpu.memory_space<vmem>> -> memref<1x128xi32, #tpu.memory_space<vmem>>
        %dma_start3A_916 = tpu.memref_squeeze %dma_start3A_915 : memref<1x128xi32, #tpu.memory_space<vmem>> -> memref<128xi32, #tpu.memory_space<vmem>>
        %dma_start3A_917 = arith.constant 0 : i32
        %dma_start3A_918 = arith.constant 0 : i32
        %dma_start3A_919 = tpu.memref_slice %arg2[%dma_start3A_917, %dma_start3A_918] : memref<20480x64xf32, #tpu.memory_space<hbm>> -> memref<20480x64xf32, #tpu.memory_space<hbm>>
        tpu.enqueue_indirect_dma source(%dma_start3A_919 : memref<20480x64xf32, #tpu.memory_space<hbm>>) target(%arg12 : memref<128x64xf32, #tpu.memory_space<vmem>>) offsets(%dma_start3A_916 : memref<128xi32, #tpu.memory_space<vmem>>) semaphore(%arg18 : memref<!tpu.dma_semaphore, #tpu.memory_space<semaphore_mem>>)
      } else {
      }
      %dma_wait3A = arith.constant 0 : i32
      %dma_wait3A_654 = arith.constant 0 : i32
      %dma_wait3A_655 = tpu.memref_slice %arg2[%dma_wait3A, %dma_wait3A_654] : memref<20480x64xf32, #tpu.memory_space<hbm>> -> memref<128x64xf32, #tpu.memory_space<hbm>>
      %dma_wait3A_656 = arith.constant 0 : i32
      %dma_wait3A_657 = arith.constant 0 : i32
      %dma_wait3A_658 = tpu.memref_slice %arg2[%dma_wait3A_656, %dma_wait3A_657] : memref<20480x64xf32, #tpu.memory_space<hbm>> -> memref<128x64xf32, #tpu.memory_space<hbm>>
      tpu.wait_dma2 semaphore(%arg15 : memref<!tpu.dma_semaphore, #tpu.memory_space<semaphore_mem>>) src(%dma_wait3A_658 : memref<128x64xf32, #tpu.memory_space<hbm>>) dst(%arg9 : memref<128x64xf32, #tpu.memory_space<vmem>>)
      %run_scoped3A = arith.constant 0 : i32
      "tpu.region"() ({
        %run_scoped3A_713 = tpu.sem_alloc : memref<!tpu.dma_semaphore, #tpu.memory_space<semaphore_mem>>
        %dma_start3A_714 = arith.constant 0 : i32
        %dma_start3A_715 = tpu.memref_slice %arg8[%run_scoped3A, %dma_start3A_714] : memref<4x128xi32, #tpu.memory_space<vmem>> -> memref<1x128xi32, #tpu.memory_space<vmem>>
        %dma_start3A_716 = tpu.memref_squeeze %dma_start3A_715 : memref<1x128xi32, #tpu.memory_space<vmem>> -> memref<128xi32, #tpu.memory_space<vmem>>
        %dma_start3A_717 = arith.constant 0 : i32
        %dma_start3A_718 = arith.constant 0 : i32
        %dma_start3A_719 = tpu.memref_slice %arg5[%dma_start3A_717, %dma_start3A_718] : memref<10240x64xf32, #tpu.memory_space<vmem_shared>> -> memref<10240x64xf32, #tpu.memory_space<vmem_shared>>
        tpu.enqueue_indirect_dma source(%arg9 : memref<128x64xf32, #tpu.memory_space<vmem>>) target(%dma_start3A_719 : memref<10240x64xf32, #tpu.memory_space<vmem_shared>>) offsets(%dma_start3A_716 : memref<128xi32, #tpu.memory_space<vmem>>) semaphore(%run_scoped3A_713 : memref<!tpu.dma_semaphore, #tpu.memory_space<semaphore_mem>>) {add = true}
        %dma_wait3A_720 = arith.constant 0 : i32
        %dma_wait3A_721 = tpu.memref_slice %arg8[%run_scoped3A, %dma_wait3A_720] : memref<4x128xi32, #tpu.memory_space<vmem>> -> memref<1x128xi32, #tpu.memory_space<vmem>>
        %dma_wait3A_722 = tpu.memref_squeeze %dma_wait3A_721 : memref<1x128xi32, #tpu.memory_space<vmem>> -> memref<128xi32, #tpu.memory_space<vmem>>
        %dma_wait3A_723 = arith.constant 0 : i32
        %dma_wait3A_724 = arith.constant 0 : i32
        %dma_wait3A_725 = tpu.memref_slice %arg5[%dma_wait3A_723, %dma_wait3A_724] : memref<10240x64xf32, #tpu.memory_space<vmem_shared>> -> memref<10240x64xf32, #tpu.memory_space<vmem_shared>>
        tpu.wait_indirect_dma semaphore(%run_scoped3A_713 : memref<!tpu.dma_semaphore, #tpu.memory_space<semaphore_mem>>) src(%arg9 : memref<128x64xf32, #tpu.memory_space<vmem>>) dst(%dma_wait3A_725 : memref<10240x64xf32, #tpu.memory_space<vmem_shared>>)
        tpu.yield
      }) : () -> ()
      %add3A_659 = arith.constant 1 : i32
      %add3A_660 = arith.addi %mul3A_646, %add3A_659 : i32
      %add3A_661 = arith.constant 4 : i32
      %add3A_662 = arith.addi %add3A_660, %add3A_661 : i32
      %sub3A_663 = arith.constant 1 : i32
      %sub3A_664 = arith.subi %add3A_662, %sub3A_663 : i32
      %lt3A_665 = arith.constant 160 : i32
      %lt3A_666 = arith.cmpi slt, %sub3A_664, %lt3A_665 : i32
      %convert_element_type3A_667 = arith.extui %lt3A_666 : i1 to i32
      %cond3A_668 = arith.constant 0 : i32
      %cond3A_669 = arith.cmpi ne, %convert_element_type3A_667, %cond3A_668 : i32
      scf.if %cond3A_669 {
        %add3A_713 = arith.constant 4 : i32
        %add3A_714 = arith.addi %add3A_660, %add3A_713 : i32
        %sub3A_715 = arith.constant 1 : i32
        %sub3A_716 = arith.subi %add3A_714, %sub3A_715 : i32
        %get3A_717 = arith.index_cast %sub3A_716 : i32 to index
        %get3A_718 = arith.constant 0 : index
        %get3A_719 = tpu.vector_load %arg6[%get3A_717, %get3A_718] {strides = array<i32>} : memref<160x128xi32, #tpu.memory_space<vmem>>, vector<1x16xi32>,
        %get3A_720 = vector.shape_cast %get3A_719 : vector<1x16xi32> to vector<16xi32>
        %and3A_721 = arith.constant 16383 : i32
        %and3A_722 = vector.broadcast %and3A_721 : i32 to vector<16xi32>
        %and3A_723 = arith.andi %get3A_720, %and3A_722 : vector<16xi32>
        %add3A_724 = vector.broadcast %mul3A_0 : i32 to vector<16xi32>
        %add3A_725 = arith.addi %and3A_723, %add3A_724 : vector<16xi32>
        %swap3A_726 = arith.constant 0 : i32
        %swap3A_727 = arith.index_cast %swap3A_726 : i32 to index
        %swap3A_728 = arith.constant 0 : index
        %swap3A_729 = tpu.vector_load %arg7[%swap3A_727, %swap3A_728] {strides = array<i32>} : memref<4x128xi32, #tpu.memory_space<vmem>>, vector<1x16xi32>,
        %swap3A_730 = vector.shape_cast %swap3A_729 : vector<1x16xi32> to vector<16xi32>
        %swap3A_731 = vector.shape_cast %add3A_725 : vector<16xi32> to vector<1x16xi32>
        tpu.vector_store %arg7[%swap3A_727, %swap3A_728], %swap3A_731 {strides = array<i32>} : memref<4x128xi32, #tpu.memory_space<vmem>>, vector<1x16xi32>,
        %shift_right_logical3A_732 = arith.constant 14 : i32
        %shift_right_logical3A_733 = vector.broadcast %shift_right_logical3A_732 : i32 to vector<16xi32>
        %shift_right_logical3A_734 = arith.shrui %get3A_720, %shift_right_logical3A_733 : vector<16xi32>
        %swap3A_735 = arith.constant 0 : i32
        %swap3A_736 = arith.index_cast %swap3A_735 : i32 to index
        %swap3A_737 = arith.constant 0 : index
        %swap3A_738 = tpu.vector_load %arg8[%swap3A_736, %swap3A_737] {strides = array<i32>} : memref<4x128xi32, #tpu.memory_space<vmem>>, vector<1x16xi32>,
        %swap3A_739 = vector.shape_cast %swap3A_738 : vector<1x16xi32> to vector<16xi32>
        %swap3A_740 = vector.shape_cast %shift_right_logical3A_734 : vector<16xi32> to vector<1x16xi32>
        tpu.vector_store %arg8[%swap3A_736, %swap3A_737], %swap3A_740 {strides = array<i32>} : memref<4x128xi32, #tpu.memory_space<vmem>>, vector<1x16xi32>,
        %get3A_741 = arith.index_cast %sub3A_716 : i32 to index
        %get3A_742 = arith.constant 16 : index
        %get3A_743 = tpu.vector_load %arg6[%get3A_741, %get3A_742] {strides = array<i32>} : memref<160x128xi32, #tpu.memory_space<vmem>>, vector<1x16xi32>,
        %get3A_744 = vector.shape_cast %get3A_743 : vector<1x16xi32> to vector<16xi32>
        %and3A_745 = arith.constant 16383 : i32
        %and3A_746 = vector.broadcast %and3A_745 : i32 to vector<16xi32>
        %and3A_747 = arith.andi %get3A_744, %and3A_746 : vector<16xi32>
        %add3A_748 = vector.broadcast %mul3A_0 : i32 to vector<16xi32>
        %add3A_749 = arith.addi %and3A_747, %add3A_748 : vector<16xi32>
        %swap3A_750 = arith.constant 0 : i32
        %swap3A_751 = arith.index_cast %swap3A_750 : i32 to index
        %swap3A_752 = arith.constant 16 : index
        %swap3A_753 = tpu.vector_load %arg7[%swap3A_751, %swap3A_752] {strides = array<i32>} : memref<4x128xi32, #tpu.memory_space<vmem>>, vector<1x16xi32>,
        %swap3A_754 = vector.shape_cast %swap3A_753 : vector<1x16xi32> to vector<16xi32>
        %swap3A_755 = vector.shape_cast %add3A_749 : vector<16xi32> to vector<1x16xi32>
        tpu.vector_store %arg7[%swap3A_751, %swap3A_752], %swap3A_755 {strides = array<i32>} : memref<4x128xi32, #tpu.memory_space<vmem>>, vector<1x16xi32>,
        %shift_right_logical3A_756 = arith.constant 14 : i32
        %shift_right_logical3A_757 = vector.broadcast %shift_right_logical3A_756 : i32 to vector<16xi32>
        %shift_right_logical3A_758 = arith.shrui %get3A_744, %shift_right_logical3A_757 : vector<16xi32>
        %swap3A_759 = arith.constant 0 : i32
        %swap3A_760 = arith.index_cast %swap3A_759 : i32 to index
        %swap3A_761 = arith.constant 16 : index
        %swap3A_762 = tpu.vector_load %arg8[%swap3A_760, %swap3A_761] {strides = array<i32>} : memref<4x128xi32, #tpu.memory_space<vmem>>, vector<1x16xi32>,
        %swap3A_763 = vector.shape_cast %swap3A_762 : vector<1x16xi32> to vector<16xi32>
        %swap3A_764 = vector.shape_cast %shift_right_logical3A_758 : vector<16xi32> to vector<1x16xi32>
        tpu.vector_store %arg8[%swap3A_760, %swap3A_761], %swap3A_764 {strides = array<i32>} : memref<4x128xi32, #tpu.memory_space<vmem>>, vector<1x16xi32>,
        %get3A_765 = arith.index_cast %sub3A_716 : i32 to index
        %get3A_766 = arith.constant 32 : index
        %get3A_767 = tpu.vector_load %arg6[%get3A_765, %get3A_766] {strides = array<i32>} : memref<160x128xi32, #tpu.memory_space<vmem>>, vector<1x16xi32>,
        %get3A_768 = vector.shape_cast %get3A_767 : vector<1x16xi32> to vector<16xi32>
        %and3A_769 = arith.constant 16383 : i32
        %and3A_770 = vector.broadcast %and3A_769 : i32 to vector<16xi32>
        %and3A_771 = arith.andi %get3A_768, %and3A_770 : vector<16xi32>
        %add3A_772 = vector.broadcast %mul3A_0 : i32 to vector<16xi32>
        %add3A_773 = arith.addi %and3A_771, %add3A_772 : vector<16xi32>
        %swap3A_774 = arith.constant 0 : i32
        %swap3A_775 = arith.index_cast %swap3A_774 : i32 to index
        %swap3A_776 = arith.constant 32 : index
        %swap3A_777 = tpu.vector_load %arg7[%swap3A_775, %swap3A_776] {strides = array<i32>} : memref<4x128xi32, #tpu.memory_space<vmem>>, vector<1x16xi32>,
        %swap3A_778 = vector.shape_cast %swap3A_777 : vector<1x16xi32> to vector<16xi32>
        %swap3A_779 = vector.shape_cast %add3A_773 : vector<16xi32> to vector<1x16xi32>
        tpu.vector_store %arg7[%swap3A_775, %swap3A_776], %swap3A_779 {strides = array<i32>} : memref<4x128xi32, #tpu.memory_space<vmem>>, vector<1x16xi32>,
        %shift_right_logical3A_780 = arith.constant 14 : i32
        %shift_right_logical3A_781 = vector.broadcast %shift_right_logical3A_780 : i32 to vector<16xi32>
        %shift_right_logical3A_782 = arith.shrui %get3A_768, %shift_right_logical3A_781 : vector<16xi32>
        %swap3A_783 = arith.constant 0 : i32
        %swap3A_784 = arith.index_cast %swap3A_783 : i32 to index
        %swap3A_785 = arith.constant 32 : index
        %swap3A_786 = tpu.vector_load %arg8[%swap3A_784, %swap3A_785] {strides = array<i32>} : memref<4x128xi32, #tpu.memory_space<vmem>>, vector<1x16xi32>,
        %swap3A_787 = vector.shape_cast %swap3A_786 : vector<1x16xi32> to vector<16xi32>
        %swap3A_788 = vector.shape_cast %shift_right_logical3A_782 : vector<16xi32> to vector<1x16xi32>
        tpu.vector_store %arg8[%swap3A_784, %swap3A_785], %swap3A_788 {strides = array<i32>} : memref<4x128xi32, #tpu.memory_space<vmem>>, vector<1x16xi32>,
        %get3A_789 = arith.index_cast %sub3A_716 : i32 to index
        %get3A_790 = arith.constant 48 : index
        %get3A_791 = tpu.vector_load %arg6[%get3A_789, %get3A_790] {strides = array<i32>} : memref<160x128xi32, #tpu.memory_space<vmem>>, vector<1x16xi32>,
        %get3A_792 = vector.shape_cast %get3A_791 : vector<1x16xi32> to vector<16xi32>
        %and3A_793 = arith.constant 16383 : i32
        %and3A_794 = vector.broadcast %and3A_793 : i32 to vector<16xi32>
        %and3A_795 = arith.andi %get3A_792, %and3A_794 : vector<16xi32>
        %add3A_796 = vector.broadcast %mul3A_0 : i32 to vector<16xi32>
        %add3A_797 = arith.addi %and3A_795, %add3A_796 : vector<16xi32>
        %swap3A_798 = arith.constant 0 : i32
        %swap3A_799 = arith.index_cast %swap3A_798 : i32 to index
        %swap3A_800 = arith.constant 48 : index
        %swap3A_801 = tpu.vector_load %arg7[%swap3A_799, %swap3A_800] {strides = array<i32>} : memref<4x128xi32, #tpu.memory_space<vmem>>, vector<1x16xi32>,
        %swap3A_802 = vector.shape_cast %swap3A_801 : vector<1x16xi32> to vector<16xi32>
        %swap3A_803 = vector.shape_cast %add3A_797 : vector<16xi32> to vector<1x16xi32>
        tpu.vector_store %arg7[%swap3A_799, %swap3A_800], %swap3A_803 {strides = array<i32>} : memref<4x128xi32, #tpu.memory_space<vmem>>, vector<1x16xi32>,
        %shift_right_logical3A_804 = arith.constant 14 : i32
        %shift_right_logical3A_805 = vector.broadcast %shift_right_logical3A_804 : i32 to vector<16xi32>
        %shift_right_logical3A_806 = arith.shrui %get3A_792, %shift_right_logical3A_805 : vector<16xi32>
        %swap3A_807 = arith.constant 0 : i32
        %swap3A_808 = arith.index_cast %swap3A_807 : i32 to index
        %swap3A_809 = arith.constant 48 : index
        %swap3A_810 = tpu.vector_load %arg8[%swap3A_808, %swap3A_809] {strides = array<i32>} : memref<4x128xi32, #tpu.memory_space<vmem>>, vector<1x16xi32>,
        %swap3A_811 = vector.shape_cast %swap3A_810 : vector<1x16xi32> to vector<16xi32>
        %swap3A_812 = vector.shape_cast %shift_right_logical3A_806 : vector<16xi32> to vector<1x16xi32>
        tpu.vector_store %arg8[%swap3A_808, %swap3A_809], %swap3A_812 {strides = array<i32>} : memref<4x128xi32, #tpu.memory_space<vmem>>, vector<1x16xi32>,
        %get3A_813 = arith.index_cast %sub3A_716 : i32 to index
        %get3A_814 = arith.constant 64 : index
        %get3A_815 = tpu.vector_load %arg6[%get3A_813, %get3A_814] {strides = array<i32>} : memref<160x128xi32, #tpu.memory_space<vmem>>, vector<1x16xi32>,
        %get3A_816 = vector.shape_cast %get3A_815 : vector<1x16xi32> to vector<16xi32>
        %and3A_817 = arith.constant 16383 : i32
        %and3A_818 = vector.broadcast %and3A_817 : i32 to vector<16xi32>
        %and3A_819 = arith.andi %get3A_816, %and3A_818 : vector<16xi32>
        %add3A_820 = vector.broadcast %mul3A_0 : i32 to vector<16xi32>
        %add3A_821 = arith.addi %and3A_819, %add3A_820 : vector<16xi32>
        %swap3A_822 = arith.constant 0 : i32
        %swap3A_823 = arith.index_cast %swap3A_822 : i32 to index
        %swap3A_824 = arith.constant 64 : index
        %swap3A_825 = tpu.vector_load %arg7[%swap3A_823, %swap3A_824] {strides = array<i32>} : memref<4x128xi32, #tpu.memory_space<vmem>>, vector<1x16xi32>,
        %swap3A_826 = vector.shape_cast %swap3A_825 : vector<1x16xi32> to vector<16xi32>
        %swap3A_827 = vector.shape_cast %add3A_821 : vector<16xi32> to vector<1x16xi32>
        tpu.vector_store %arg7[%swap3A_823, %swap3A_824], %swap3A_827 {strides = array<i32>} : memref<4x128xi32, #tpu.memory_space<vmem>>, vector<1x16xi32>,
        %shift_right_logical3A_828 = arith.constant 14 : i32
        %shift_right_logical3A_829 = vector.broadcast %shift_right_logical3A_828 : i32 to vector<16xi32>
        %shift_right_logical3A_830 = arith.shrui %get3A_816, %shift_right_logical3A_829 : vector<16xi32>
        %swap3A_831 = arith.constant 0 : i32
        %swap3A_832 = arith.index_cast %swap3A_831 : i32 to index
        %swap3A_833 = arith.constant 64 : index
        %swap3A_834 = tpu.vector_load %arg8[%swap3A_832, %swap3A_833] {strides = array<i32>} : memref<4x128xi32, #tpu.memory_space<vmem>>, vector<1x16xi32>,
        %swap3A_835 = vector.shape_cast %swap3A_834 : vector<1x16xi32> to vector<16xi32>
        %swap3A_836 = vector.shape_cast %shift_right_logical3A_830 : vector<16xi32> to vector<1x16xi32>
        tpu.vector_store %arg8[%swap3A_832, %swap3A_833], %swap3A_836 {strides = array<i32>} : memref<4x128xi32, #tpu.memory_space<vmem>>, vector<1x16xi32>,
        %get3A_837 = arith.index_cast %sub3A_716 : i32 to index
        %get3A_838 = arith.constant 80 : index
        %get3A_839 = tpu.vector_load %arg6[%get3A_837, %get3A_838] {strides = array<i32>} : memref<160x128xi32, #tpu.memory_space<vmem>>, vector<1x16xi32>,
        %get3A_840 = vector.shape_cast %get3A_839 : vector<1x16xi32> to vector<16xi32>
        %and3A_841 = arith.constant 16383 : i32
        %and3A_842 = vector.broadcast %and3A_841 : i32 to vector<16xi32>
        %and3A_843 = arith.andi %get3A_840, %and3A_842 : vector<16xi32>
        %add3A_844 = vector.broadcast %mul3A_0 : i32 to vector<16xi32>
        %add3A_845 = arith.addi %and3A_843, %add3A_844 : vector<16xi32>
        %swap3A_846 = arith.constant 0 : i32
        %swap3A_847 = arith.index_cast %swap3A_846 : i32 to index
        %swap3A_848 = arith.constant 80 : index
        %swap3A_849 = tpu.vector_load %arg7[%swap3A_847, %swap3A_848] {strides = array<i32>} : memref<4x128xi32, #tpu.memory_space<vmem>>, vector<1x16xi32>,
        %swap3A_850 = vector.shape_cast %swap3A_849 : vector<1x16xi32> to vector<16xi32>
        %swap3A_851 = vector.shape_cast %add3A_845 : vector<16xi32> to vector<1x16xi32>
        tpu.vector_store %arg7[%swap3A_847, %swap3A_848], %swap3A_851 {strides = array<i32>} : memref<4x128xi32, #tpu.memory_space<vmem>>, vector<1x16xi32>,
        %shift_right_logical3A_852 = arith.constant 14 : i32
        %shift_right_logical3A_853 = vector.broadcast %shift_right_logical3A_852 : i32 to vector<16xi32>
        %shift_right_logical3A_854 = arith.shrui %get3A_840, %shift_right_logical3A_853 : vector<16xi32>
        %swap3A_855 = arith.constant 0 : i32
        %swap3A_856 = arith.index_cast %swap3A_855 : i32 to index
        %swap3A_857 = arith.constant 80 : index
        %swap3A_858 = tpu.vector_load %arg8[%swap3A_856, %swap3A_857] {strides = array<i32>} : memref<4x128xi32, #tpu.memory_space<vmem>>, vector<1x16xi32>,
        %swap3A_859 = vector.shape_cast %swap3A_858 : vector<1x16xi32> to vector<16xi32>
        %swap3A_860 = vector.shape_cast %shift_right_logical3A_854 : vector<16xi32> to vector<1x16xi32>
        tpu.vector_store %arg8[%swap3A_856, %swap3A_857], %swap3A_860 {strides = array<i32>} : memref<4x128xi32, #tpu.memory_space<vmem>>, vector<1x16xi32>,
        %get3A_861 = arith.index_cast %sub3A_716 : i32 to index
        %get3A_862 = arith.constant 96 : index
        %get3A_863 = tpu.vector_load %arg6[%get3A_861, %get3A_862] {strides = array<i32>} : memref<160x128xi32, #tpu.memory_space<vmem>>, vector<1x16xi32>,
        %get3A_864 = vector.shape_cast %get3A_863 : vector<1x16xi32> to vector<16xi32>
        %and3A_865 = arith.constant 16383 : i32
        %and3A_866 = vector.broadcast %and3A_865 : i32 to vector<16xi32>
        %and3A_867 = arith.andi %get3A_864, %and3A_866 : vector<16xi32>
        %add3A_868 = vector.broadcast %mul3A_0 : i32 to vector<16xi32>
        %add3A_869 = arith.addi %and3A_867, %add3A_868 : vector<16xi32>
        %swap3A_870 = arith.constant 0 : i32
        %swap3A_871 = arith.index_cast %swap3A_870 : i32 to index
        %swap3A_872 = arith.constant 96 : index
        %swap3A_873 = tpu.vector_load %arg7[%swap3A_871, %swap3A_872] {strides = array<i32>} : memref<4x128xi32, #tpu.memory_space<vmem>>, vector<1x16xi32>,
        %swap3A_874 = vector.shape_cast %swap3A_873 : vector<1x16xi32> to vector<16xi32>
        %swap3A_875 = vector.shape_cast %add3A_869 : vector<16xi32> to vector<1x16xi32>
        tpu.vector_store %arg7[%swap3A_871, %swap3A_872], %swap3A_875 {strides = array<i32>} : memref<4x128xi32, #tpu.memory_space<vmem>>, vector<1x16xi32>,
        %shift_right_logical3A_876 = arith.constant 14 : i32
        %shift_right_logical3A_877 = vector.broadcast %shift_right_logical3A_876 : i32 to vector<16xi32>
        %shift_right_logical3A_878 = arith.shrui %get3A_864, %shift_right_logical3A_877 : vector<16xi32>
        %swap3A_879 = arith.constant 0 : i32
        %swap3A_880 = arith.index_cast %swap3A_879 : i32 to index
        %swap3A_881 = arith.constant 96 : index
        %swap3A_882 = tpu.vector_load %arg8[%swap3A_880, %swap3A_881] {strides = array<i32>} : memref<4x128xi32, #tpu.memory_space<vmem>>, vector<1x16xi32>,
        %swap3A_883 = vector.shape_cast %swap3A_882 : vector<1x16xi32> to vector<16xi32>
        %swap3A_884 = vector.shape_cast %shift_right_logical3A_878 : vector<16xi32> to vector<1x16xi32>
        tpu.vector_store %arg8[%swap3A_880, %swap3A_881], %swap3A_884 {strides = array<i32>} : memref<4x128xi32, #tpu.memory_space<vmem>>, vector<1x16xi32>,
        %get3A_885 = arith.index_cast %sub3A_716 : i32 to index
        %get3A_886 = arith.constant 112 : index
        %get3A_887 = tpu.vector_load %arg6[%get3A_885, %get3A_886] {strides = array<i32>} : memref<160x128xi32, #tpu.memory_space<vmem>>, vector<1x16xi32>,
        %get3A_888 = vector.shape_cast %get3A_887 : vector<1x16xi32> to vector<16xi32>
        %and3A_889 = arith.constant 16383 : i32
        %and3A_890 = vector.broadcast %and3A_889 : i32 to vector<16xi32>
        %and3A_891 = arith.andi %get3A_888, %and3A_890 : vector<16xi32>
        %add3A_892 = vector.broadcast %mul3A_0 : i32 to vector<16xi32>
        %add3A_893 = arith.addi %and3A_891, %add3A_892 : vector<16xi32>
        %swap3A_894 = arith.constant 0 : i32
        %swap3A_895 = arith.index_cast %swap3A_894 : i32 to index
        %swap3A_896 = arith.constant 112 : index
        %swap3A_897 = tpu.vector_load %arg7[%swap3A_895, %swap3A_896] {strides = array<i32>} : memref<4x128xi32, #tpu.memory_space<vmem>>, vector<1x16xi32>,
        %swap3A_898 = vector.shape_cast %swap3A_897 : vector<1x16xi32> to vector<16xi32>
        %swap3A_899 = vector.shape_cast %add3A_893 : vector<16xi32> to vector<1x16xi32>
        tpu.vector_store %arg7[%swap3A_895, %swap3A_896], %swap3A_899 {strides = array<i32>} : memref<4x128xi32, #tpu.memory_space<vmem>>, vector<1x16xi32>,
        %shift_right_logical3A_900 = arith.constant 14 : i32
        %shift_right_logical3A_901 = vector.broadcast %shift_right_logical3A_900 : i32 to vector<16xi32>
        %shift_right_logical3A_902 = arith.shrui %get3A_888, %shift_right_logical3A_901 : vector<16xi32>
        %swap3A_903 = arith.constant 0 : i32
        %swap3A_904 = arith.index_cast %swap3A_903 : i32 to index
        %swap3A_905 = arith.constant 112 : index
        %swap3A_906 = tpu.vector_load %arg8[%swap3A_904, %swap3A_905] {strides = array<i32>} : memref<4x128xi32, #tpu.memory_space<vmem>>, vector<1x16xi32>,
        %swap3A_907 = vector.shape_cast %swap3A_906 : vector<1x16xi32> to vector<16xi32>
        %swap3A_908 = vector.shape_cast %shift_right_logical3A_902 : vector<16xi32> to vector<1x16xi32>
        tpu.vector_store %arg8[%swap3A_904, %swap3A_905], %swap3A_908 {strides = array<i32>} : memref<4x128xi32, #tpu.memory_space<vmem>>, vector<1x16xi32>,
        %add3A_909 = arith.constant 4 : i32
        %add3A_910 = arith.addi %add3A_660, %add3A_909 : i32
        %sub3A_911 = arith.constant 1 : i32
        %sub3A_912 = arith.subi %add3A_910, %sub3A_911 : i32
        %dma_start3A_913 = arith.constant 0 : i32
        %dma_start3A_914 = arith.constant 0 : i32
        %dma_start3A_915 = tpu.memref_slice %arg7[%dma_start3A_913, %dma_start3A_914] : memref<4x128xi32, #tpu.memory_space<vmem>> -> memref<1x128xi32, #tpu.memory_space<vmem>>
        %dma_start3A_916 = tpu.memref_squeeze %dma_start3A_915 : memref<1x128xi32, #tpu.memory_space<vmem>> -> memref<128xi32, #tpu.memory_space<vmem>>
        %dma_start3A_917 = arith.constant 0 : i32
        %dma_start3A_918 = arith.constant 0 : i32
        %dma_start3A_919 = tpu.memref_slice %arg2[%dma_start3A_917, %dma_start3A_918] : memref<20480x64xf32, #tpu.memory_space<hbm>> -> memref<20480x64xf32, #tpu.memory_space<hbm>>
        tpu.enqueue_indirect_dma source(%dma_start3A_919 : memref<20480x64xf32, #tpu.memory_space<hbm>>) target(%arg9 : memref<128x64xf32, #tpu.memory_space<vmem>>) offsets(%dma_start3A_916 : memref<128xi32, #tpu.memory_space<vmem>>) semaphore(%arg15 : memref<!tpu.dma_semaphore, #tpu.memory_space<semaphore_mem>>)
      } else {
      }
      %dma_wait3A_670 = arith.constant 0 : i32
      %dma_wait3A_671 = arith.constant 0 : i32
      %dma_wait3A_672 = tpu.memref_slice %arg2[%dma_wait3A_670, %dma_wait3A_671] : memref<20480x64xf32, #tpu.memory_space<hbm>> -> memref<128x64xf32, #tpu.memory_space<hbm>>
      %dma_wait3A_673 = arith.constant 0 : i32
      %dma_wait3A_674 = arith.constant 0 : i32
      %dma_wait3A_675 = tpu.memref_slice %arg2[%dma_wait3A_673, %dma_wait3A_674] : memref<20480x64xf32, #tpu.memory_space<hbm>> -> memref<128x64xf32, #tpu.memory_space<hbm>>
      tpu.wait_dma2 semaphore(%arg16 : memref<!tpu.dma_semaphore, #tpu.memory_space<semaphore_mem>>) src(%dma_wait3A_675 : memref<128x64xf32, #tpu.memory_space<hbm>>) dst(%arg10 : memref<128x64xf32, #tpu.memory_space<vmem>>)
      %run_scoped3A_676 = arith.constant 1 : i32
      "tpu.region"() ({
        %run_scoped3A_713 = tpu.sem_alloc : memref<!tpu.dma_semaphore, #tpu.memory_space<semaphore_mem>>
        %dma_start3A_714 = arith.constant 0 : i32
        %dma_start3A_715 = tpu.memref_slice %arg8[%run_scoped3A_676, %dma_start3A_714] : memref<4x128xi32, #tpu.memory_space<vmem>> -> memref<1x128xi32, #tpu.memory_space<vmem>>
        %dma_start3A_716 = tpu.memref_squeeze %dma_start3A_715 : memref<1x128xi32, #tpu.memory_space<vmem>> -> memref<128xi32, #tpu.memory_space<vmem>>
        %dma_start3A_717 = arith.constant 0 : i32
        %dma_start3A_718 = arith.constant 0 : i32
        %dma_start3A_719 = tpu.memref_slice %arg5[%dma_start3A_717, %dma_start3A_718] : memref<10240x64xf32, #tpu.memory_space<vmem_shared>> -> memref<10240x64xf32, #tpu.memory_space<vmem_shared>>
        tpu.enqueue_indirect_dma source(%arg10 : memref<128x64xf32, #tpu.memory_space<vmem>>) target(%dma_start3A_719 : memref<10240x64xf32, #tpu.memory_space<vmem_shared>>) offsets(%dma_start3A_716 : memref<128xi32, #tpu.memory_space<vmem>>) semaphore(%run_scoped3A_713 : memref<!tpu.dma_semaphore, #tpu.memory_space<semaphore_mem>>) {add = true}
        %dma_wait3A_720 = arith.constant 0 : i32
        %dma_wait3A_721 = tpu.memref_slice %arg8[%run_scoped3A_676, %dma_wait3A_720] : memref<4x128xi32, #tpu.memory_space<vmem>> -> memref<1x128xi32, #tpu.memory_space<vmem>>
        %dma_wait3A_722 = tpu.memref_squeeze %dma_wait3A_721 : memref<1x128xi32, #tpu.memory_space<vmem>> -> memref<128xi32, #tpu.memory_space<vmem>>
        %dma_wait3A_723 = arith.constant 0 : i32
        %dma_wait3A_724 = arith.constant 0 : i32
        %dma_wait3A_725 = tpu.memref_slice %arg5[%dma_wait3A_723, %dma_wait3A_724] : memref<10240x64xf32, #tpu.memory_space<vmem_shared>> -> memref<10240x64xf32, #tpu.memory_space<vmem_shared>>
        tpu.wait_indirect_dma semaphore(%run_scoped3A_713 : memref<!tpu.dma_semaphore, #tpu.memory_space<semaphore_mem>>) src(%arg10 : memref<128x64xf32, #tpu.memory_space<vmem>>) dst(%dma_wait3A_725 : memref<10240x64xf32, #tpu.memory_space<vmem_shared>>)
        tpu.yield
      }) : () -> ()
      %add3A_677 = arith.constant 2 : i32
      %add3A_678 = arith.addi %mul3A_646, %add3A_677 : i32
      %add3A_679 = arith.constant 4 : i32
      %add3A_680 = arith.addi %add3A_678, %add3A_679 : i32
      %sub3A_681 = arith.constant 1 : i32
      %sub3A_682 = arith.subi %add3A_680, %sub3A_681 : i32
      %lt3A_683 = arith.constant 160 : i32
      %lt3A_684 = arith.cmpi slt, %sub3A_682, %lt3A_683 : i32
      %convert_element_type3A_685 = arith.extui %lt3A_684 : i1 to i32
      %cond3A_686 = arith.constant 0 : i32
      %cond3A_687 = arith.cmpi ne, %convert_element_type3A_685, %cond3A_686 : i32
      scf.if %cond3A_687 {
        %add3A_713 = arith.constant 4 : i32
        %add3A_714 = arith.addi %add3A_678, %add3A_713 : i32
        %sub3A_715 = arith.constant 1 : i32
        %sub3A_716 = arith.subi %add3A_714, %sub3A_715 : i32
        %get3A_717 = arith.index_cast %sub3A_716 : i32 to index
        %get3A_718 = arith.constant 0 : index
        %get3A_719 = tpu.vector_load %arg6[%get3A_717, %get3A_718] {strides = array<i32>} : memref<160x128xi32, #tpu.memory_space<vmem>>, vector<1x16xi32>,
        %get3A_720 = vector.shape_cast %get3A_719 : vector<1x16xi32> to vector<16xi32>
        %and3A_721 = arith.constant 16383 : i32
        %and3A_722 = vector.broadcast %and3A_721 : i32 to vector<16xi32>
        %and3A_723 = arith.andi %get3A_720, %and3A_722 : vector<16xi32>
        %add3A_724 = vector.broadcast %mul3A_0 : i32 to vector<16xi32>
        %add3A_725 = arith.addi %and3A_723, %add3A_724 : vector<16xi32>
        %swap3A_726 = arith.constant 1 : i32
        %swap3A_727 = arith.index_cast %swap3A_726 : i32 to index
        %swap3A_728 = arith.constant 0 : index
        %swap3A_729 = tpu.vector_load %arg7[%swap3A_727, %swap3A_728] {strides = array<i32>} : memref<4x128xi32, #tpu.memory_space<vmem>>, vector<1x16xi32>,
        %swap3A_730 = vector.shape_cast %swap3A_729 : vector<1x16xi32> to vector<16xi32>
        %swap3A_731 = vector.shape_cast %add3A_725 : vector<16xi32> to vector<1x16xi32>
        tpu.vector_store %arg7[%swap3A_727, %swap3A_728], %swap3A_731 {strides = array<i32>} : memref<4x128xi32, #tpu.memory_space<vmem>>, vector<1x16xi32>,
        %shift_right_logical3A_732 = arith.constant 14 : i32
        %shift_right_logical3A_733 = vector.broadcast %shift_right_logical3A_732 : i32 to vector<16xi32>
        %shift_right_logical3A_734 = arith.shrui %get3A_720, %shift_right_logical3A_733 : vector<16xi32>
        %swap3A_735 = arith.constant 1 : i32
        %swap3A_736 = arith.index_cast %swap3A_735 : i32 to index
        %swap3A_737 = arith.constant 0 : index
        %swap3A_738 = tpu.vector_load %arg8[%swap3A_736, %swap3A_737] {strides = array<i32>} : memref<4x128xi32, #tpu.memory_space<vmem>>, vector<1x16xi32>,
        %swap3A_739 = vector.shape_cast %swap3A_738 : vector<1x16xi32> to vector<16xi32>
        %swap3A_740 = vector.shape_cast %shift_right_logical3A_734 : vector<16xi32> to vector<1x16xi32>
        tpu.vector_store %arg8[%swap3A_736, %swap3A_737], %swap3A_740 {strides = array<i32>} : memref<4x128xi32, #tpu.memory_space<vmem>>, vector<1x16xi32>,
        %get3A_741 = arith.index_cast %sub3A_716 : i32 to index
        %get3A_742 = arith.constant 16 : index
        %get3A_743 = tpu.vector_load %arg6[%get3A_741, %get3A_742] {strides = array<i32>} : memref<160x128xi32, #tpu.memory_space<vmem>>, vector<1x16xi32>,
        %get3A_744 = vector.shape_cast %get3A_743 : vector<1x16xi32> to vector<16xi32>
        %and3A_745 = arith.constant 16383 : i32
        %and3A_746 = vector.broadcast %and3A_745 : i32 to vector<16xi32>
        %and3A_747 = arith.andi %get3A_744, %and3A_746 : vector<16xi32>
        %add3A_748 = vector.broadcast %mul3A_0 : i32 to vector<16xi32>
        %add3A_749 = arith.addi %and3A_747, %add3A_748 : vector<16xi32>
        %swap3A_750 = arith.constant 1 : i32
        %swap3A_751 = arith.index_cast %swap3A_750 : i32 to index
        %swap3A_752 = arith.constant 16 : index
        %swap3A_753 = tpu.vector_load %arg7[%swap3A_751, %swap3A_752] {strides = array<i32>} : memref<4x128xi32, #tpu.memory_space<vmem>>, vector<1x16xi32>,
        %swap3A_754 = vector.shape_cast %swap3A_753 : vector<1x16xi32> to vector<16xi32>
        %swap3A_755 = vector.shape_cast %add3A_749 : vector<16xi32> to vector<1x16xi32>
        tpu.vector_store %arg7[%swap3A_751, %swap3A_752], %swap3A_755 {strides = array<i32>} : memref<4x128xi32, #tpu.memory_space<vmem>>, vector<1x16xi32>,
        %shift_right_logical3A_756 = arith.constant 14 : i32
        %shift_right_logical3A_757 = vector.broadcast %shift_right_logical3A_756 : i32 to vector<16xi32>
        %shift_right_logical3A_758 = arith.shrui %get3A_744, %shift_right_logical3A_757 : vector<16xi32>
        %swap3A_759 = arith.constant 1 : i32
        %swap3A_760 = arith.index_cast %swap3A_759 : i32 to index
        %swap3A_761 = arith.constant 16 : index
        %swap3A_762 = tpu.vector_load %arg8[%swap3A_760, %swap3A_761] {strides = array<i32>} : memref<4x128xi32, #tpu.memory_space<vmem>>, vector<1x16xi32>,
        %swap3A_763 = vector.shape_cast %swap3A_762 : vector<1x16xi32> to vector<16xi32>
        %swap3A_764 = vector.shape_cast %shift_right_logical3A_758 : vector<16xi32> to vector<1x16xi32>
        tpu.vector_store %arg8[%swap3A_760, %swap3A_761], %swap3A_764 {strides = array<i32>} : memref<4x128xi32, #tpu.memory_space<vmem>>, vector<1x16xi32>,
        %get3A_765 = arith.index_cast %sub3A_716 : i32 to index
        %get3A_766 = arith.constant 32 : index
        %get3A_767 = tpu.vector_load %arg6[%get3A_765, %get3A_766] {strides = array<i32>} : memref<160x128xi32, #tpu.memory_space<vmem>>, vector<1x16xi32>,
        %get3A_768 = vector.shape_cast %get3A_767 : vector<1x16xi32> to vector<16xi32>
        %and3A_769 = arith.constant 16383 : i32
        %and3A_770 = vector.broadcast %and3A_769 : i32 to vector<16xi32>
        %and3A_771 = arith.andi %get3A_768, %and3A_770 : vector<16xi32>
        %add3A_772 = vector.broadcast %mul3A_0 : i32 to vector<16xi32>
        %add3A_773 = arith.addi %and3A_771, %add3A_772 : vector<16xi32>
        %swap3A_774 = arith.constant 1 : i32
        %swap3A_775 = arith.index_cast %swap3A_774 : i32 to index
        %swap3A_776 = arith.constant 32 : index
        %swap3A_777 = tpu.vector_load %arg7[%swap3A_775, %swap3A_776] {strides = array<i32>} : memref<4x128xi32, #tpu.memory_space<vmem>>, vector<1x16xi32>,
        %swap3A_778 = vector.shape_cast %swap3A_777 : vector<1x16xi32> to vector<16xi32>
        %swap3A_779 = vector.shape_cast %add3A_773 : vector<16xi32> to vector<1x16xi32>
        tpu.vector_store %arg7[%swap3A_775, %swap3A_776], %swap3A_779 {strides = array<i32>} : memref<4x128xi32, #tpu.memory_space<vmem>>, vector<1x16xi32>,
        %shift_right_logical3A_780 = arith.constant 14 : i32
        %shift_right_logical3A_781 = vector.broadcast %shift_right_logical3A_780 : i32 to vector<16xi32>
        %shift_right_logical3A_782 = arith.shrui %get3A_768, %shift_right_logical3A_781 : vector<16xi32>
        %swap3A_783 = arith.constant 1 : i32
        %swap3A_784 = arith.index_cast %swap3A_783 : i32 to index
        %swap3A_785 = arith.constant 32 : index
        %swap3A_786 = tpu.vector_load %arg8[%swap3A_784, %swap3A_785] {strides = array<i32>} : memref<4x128xi32, #tpu.memory_space<vmem>>, vector<1x16xi32>,
        %swap3A_787 = vector.shape_cast %swap3A_786 : vector<1x16xi32> to vector<16xi32>
        %swap3A_788 = vector.shape_cast %shift_right_logical3A_782 : vector<16xi32> to vector<1x16xi32>
        tpu.vector_store %arg8[%swap3A_784, %swap3A_785], %swap3A_788 {strides = array<i32>} : memref<4x128xi32, #tpu.memory_space<vmem>>, vector<1x16xi32>,
        %get3A_789 = arith.index_cast %sub3A_716 : i32 to index
        %get3A_790 = arith.constant 48 : index
        %get3A_791 = tpu.vector_load %arg6[%get3A_789, %get3A_790] {strides = array<i32>} : memref<160x128xi32, #tpu.memory_space<vmem>>, vector<1x16xi32>,
        %get3A_792 = vector.shape_cast %get3A_791 : vector<1x16xi32> to vector<16xi32>
        %and3A_793 = arith.constant 16383 : i32
        %and3A_794 = vector.broadcast %and3A_793 : i32 to vector<16xi32>
        %and3A_795 = arith.andi %get3A_792, %and3A_794 : vector<16xi32>
        %add3A_796 = vector.broadcast %mul3A_0 : i32 to vector<16xi32>
        %add3A_797 = arith.addi %and3A_795, %add3A_796 : vector<16xi32>
        %swap3A_798 = arith.constant 1 : i32
        %swap3A_799 = arith.index_cast %swap3A_798 : i32 to index
        %swap3A_800 = arith.constant 48 : index
        %swap3A_801 = tpu.vector_load %arg7[%swap3A_799, %swap3A_800] {strides = array<i32>} : memref<4x128xi32, #tpu.memory_space<vmem>>, vector<1x16xi32>,
        %swap3A_802 = vector.shape_cast %swap3A_801 : vector<1x16xi32> to vector<16xi32>
        %swap3A_803 = vector.shape_cast %add3A_797 : vector<16xi32> to vector<1x16xi32>
        tpu.vector_store %arg7[%swap3A_799, %swap3A_800], %swap3A_803 {strides = array<i32>} : memref<4x128xi32, #tpu.memory_space<vmem>>, vector<1x16xi32>,
        %shift_right_logical3A_804 = arith.constant 14 : i32
        %shift_right_logical3A_805 = vector.broadcast %shift_right_logical3A_804 : i32 to vector<16xi32>
        %shift_right_logical3A_806 = arith.shrui %get3A_792, %shift_right_logical3A_805 : vector<16xi32>
        %swap3A_807 = arith.constant 1 : i32
        %swap3A_808 = arith.index_cast %swap3A_807 : i32 to index
        %swap3A_809 = arith.constant 48 : index
        %swap3A_810 = tpu.vector_load %arg8[%swap3A_808, %swap3A_809] {strides = array<i32>} : memref<4x128xi32, #tpu.memory_space<vmem>>, vector<1x16xi32>,
        %swap3A_811 = vector.shape_cast %swap3A_810 : vector<1x16xi32> to vector<16xi32>
        %swap3A_812 = vector.shape_cast %shift_right_logical3A_806 : vector<16xi32> to vector<1x16xi32>
        tpu.vector_store %arg8[%swap3A_808, %swap3A_809], %swap3A_812 {strides = array<i32>} : memref<4x128xi32, #tpu.memory_space<vmem>>, vector<1x16xi32>,
        %get3A_813 = arith.index_cast %sub3A_716 : i32 to index
        %get3A_814 = arith.constant 64 : index
        %get3A_815 = tpu.vector_load %arg6[%get3A_813, %get3A_814] {strides = array<i32>} : memref<160x128xi32, #tpu.memory_space<vmem>>, vector<1x16xi32>,
        %get3A_816 = vector.shape_cast %get3A_815 : vector<1x16xi32> to vector<16xi32>
        %and3A_817 = arith.constant 16383 : i32
        %and3A_818 = vector.broadcast %and3A_817 : i32 to vector<16xi32>
        %and3A_819 = arith.andi %get3A_816, %and3A_818 : vector<16xi32>
        %add3A_820 = vector.broadcast %mul3A_0 : i32 to vector<16xi32>
        %add3A_821 = arith.addi %and3A_819, %add3A_820 : vector<16xi32>
        %swap3A_822 = arith.constant 1 : i32
        %swap3A_823 = arith.index_cast %swap3A_822 : i32 to index
        %swap3A_824 = arith.constant 64 : index
        %swap3A_825 = tpu.vector_load %arg7[%swap3A_823, %swap3A_824] {strides = array<i32>} : memref<4x128xi32, #tpu.memory_space<vmem>>, vector<1x16xi32>,
        %swap3A_826 = vector.shape_cast %swap3A_825 : vector<1x16xi32> to vector<16xi32>
        %swap3A_827 = vector.shape_cast %add3A_821 : vector<16xi32> to vector<1x16xi32>
        tpu.vector_store %arg7[%swap3A_823, %swap3A_824], %swap3A_827 {strides = array<i32>} : memref<4x128xi32, #tpu.memory_space<vmem>>, vector<1x16xi32>,
        %shift_right_logical3A_828 = arith.constant 14 : i32
        %shift_right_logical3A_829 = vector.broadcast %shift_right_logical3A_828 : i32 to vector<16xi32>
        %shift_right_logical3A_830 = arith.shrui %get3A_816, %shift_right_logical3A_829 : vector<16xi32>
        %swap3A_831 = arith.constant 1 : i32
        %swap3A_832 = arith.index_cast %swap3A_831 : i32 to index
        %swap3A_833 = arith.constant 64 : index
        %swap3A_834 = tpu.vector_load %arg8[%swap3A_832, %swap3A_833] {strides = array<i32>} : memref<4x128xi32, #tpu.memory_space<vmem>>, vector<1x16xi32>,
        %swap3A_835 = vector.shape_cast %swap3A_834 : vector<1x16xi32> to vector<16xi32>
        %swap3A_836 = vector.shape_cast %shift_right_logical3A_830 : vector<16xi32> to vector<1x16xi32>
        tpu.vector_store %arg8[%swap3A_832, %swap3A_833], %swap3A_836 {strides = array<i32>} : memref<4x128xi32, #tpu.memory_space<vmem>>, vector<1x16xi32>,
        %get3A_837 = arith.index_cast %sub3A_716 : i32 to index
        %get3A_838 = arith.constant 80 : index
        %get3A_839 = tpu.vector_load %arg6[%get3A_837, %get3A_838] {strides = array<i32>} : memref<160x128xi32, #tpu.memory_space<vmem>>, vector<1x16xi32>,
        %get3A_840 = vector.shape_cast %get3A_839 : vector<1x16xi32> to vector<16xi32>
        %and3A_841 = arith.constant 16383 : i32
        %and3A_842 = vector.broadcast %and3A_841 : i32 to vector<16xi32>
        %and3A_843 = arith.andi %get3A_840, %and3A_842 : vector<16xi32>
        %add3A_844 = vector.broadcast %mul3A_0 : i32 to vector<16xi32>
        %add3A_845 = arith.addi %and3A_843, %add3A_844 : vector<16xi32>
        %swap3A_846 = arith.constant 1 : i32
        %swap3A_847 = arith.index_cast %swap3A_846 : i32 to index
        %swap3A_848 = arith.constant 80 : index
        %swap3A_849 = tpu.vector_load %arg7[%swap3A_847, %swap3A_848] {strides = array<i32>} : memref<4x128xi32, #tpu.memory_space<vmem>>, vector<1x16xi32>,
        %swap3A_850 = vector.shape_cast %swap3A_849 : vector<1x16xi32> to vector<16xi32>
        %swap3A_851 = vector.shape_cast %add3A_845 : vector<16xi32> to vector<1x16xi32>
        tpu.vector_store %arg7[%swap3A_847, %swap3A_848], %swap3A_851 {strides = array<i32>} : memref<4x128xi32, #tpu.memory_space<vmem>>, vector<1x16xi32>,
        %shift_right_logical3A_852 = arith.constant 14 : i32
        %shift_right_logical3A_853 = vector.broadcast %shift_right_logical3A_852 : i32 to vector<16xi32>
        %shift_right_logical3A_854 = arith.shrui %get3A_840, %shift_right_logical3A_853 : vector<16xi32>
        %swap3A_855 = arith.constant 1 : i32
        %swap3A_856 = arith.index_cast %swap3A_855 : i32 to index
        %swap3A_857 = arith.constant 80 : index
        %swap3A_858 = tpu.vector_load %arg8[%swap3A_856, %swap3A_857] {strides = array<i32>} : memref<4x128xi32, #tpu.memory_space<vmem>>, vector<1x16xi32>,
        %swap3A_859 = vector.shape_cast %swap3A_858 : vector<1x16xi32> to vector<16xi32>
        %swap3A_860 = vector.shape_cast %shift_right_logical3A_854 : vector<16xi32> to vector<1x16xi32>
        tpu.vector_store %arg8[%swap3A_856, %swap3A_857], %swap3A_860 {strides = array<i32>} : memref<4x128xi32, #tpu.memory_space<vmem>>, vector<1x16xi32>,
        %get3A_861 = arith.index_cast %sub3A_716 : i32 to index
        %get3A_862 = arith.constant 96 : index
        %get3A_863 = tpu.vector_load %arg6[%get3A_861, %get3A_862] {strides = array<i32>} : memref<160x128xi32, #tpu.memory_space<vmem>>, vector<1x16xi32>,
        %get3A_864 = vector.shape_cast %get3A_863 : vector<1x16xi32> to vector<16xi32>
        %and3A_865 = arith.constant 16383 : i32
        %and3A_866 = vector.broadcast %and3A_865 : i32 to vector<16xi32>
        %and3A_867 = arith.andi %get3A_864, %and3A_866 : vector<16xi32>
        %add3A_868 = vector.broadcast %mul3A_0 : i32 to vector<16xi32>
        %add3A_869 = arith.addi %and3A_867, %add3A_868 : vector<16xi32>
        %swap3A_870 = arith.constant 1 : i32
        %swap3A_871 = arith.index_cast %swap3A_870 : i32 to index
        %swap3A_872 = arith.constant 96 : index
        %swap3A_873 = tpu.vector_load %arg7[%swap3A_871, %swap3A_872] {strides = array<i32>} : memref<4x128xi32, #tpu.memory_space<vmem>>, vector<1x16xi32>,
        %swap3A_874 = vector.shape_cast %swap3A_873 : vector<1x16xi32> to vector<16xi32>
        %swap3A_875 = vector.shape_cast %add3A_869 : vector<16xi32> to vector<1x16xi32>
        tpu.vector_store %arg7[%swap3A_871, %swap3A_872], %swap3A_875 {strides = array<i32>} : memref<4x128xi32, #tpu.memory_space<vmem>>, vector<1x16xi32>,
        %shift_right_logical3A_876 = arith.constant 14 : i32
        %shift_right_logical3A_877 = vector.broadcast %shift_right_logical3A_876 : i32 to vector<16xi32>
        %shift_right_logical3A_878 = arith.shrui %get3A_864, %shift_right_logical3A_877 : vector<16xi32>
        %swap3A_879 = arith.constant 1 : i32
        %swap3A_880 = arith.index_cast %swap3A_879 : i32 to index
        %swap3A_881 = arith.constant 96 : index
        %swap3A_882 = tpu.vector_load %arg8[%swap3A_880, %swap3A_881] {strides = array<i32>} : memref<4x128xi32, #tpu.memory_space<vmem>>, vector<1x16xi32>,
        %swap3A_883 = vector.shape_cast %swap3A_882 : vector<1x16xi32> to vector<16xi32>
        %swap3A_884 = vector.shape_cast %shift_right_logical3A_878 : vector<16xi32> to vector<1x16xi32>
        tpu.vector_store %arg8[%swap3A_880, %swap3A_881], %swap3A_884 {strides = array<i32>} : memref<4x128xi32, #tpu.memory_space<vmem>>, vector<1x16xi32>,
        %get3A_885 = arith.index_cast %sub3A_716 : i32 to index
        %get3A_886 = arith.constant 112 : index
        %get3A_887 = tpu.vector_load %arg6[%get3A_885, %get3A_886] {strides = array<i32>} : memref<160x128xi32, #tpu.memory_space<vmem>>, vector<1x16xi32>,
        %get3A_888 = vector.shape_cast %get3A_887 : vector<1x16xi32> to vector<16xi32>
        %and3A_889 = arith.constant 16383 : i32
        %and3A_890 = vector.broadcast %and3A_889 : i32 to vector<16xi32>
        %and3A_891 = arith.andi %get3A_888, %and3A_890 : vector<16xi32>
        %add3A_892 = vector.broadcast %mul3A_0 : i32 to vector<16xi32>
        %add3A_893 = arith.addi %and3A_891, %add3A_892 : vector<16xi32>
        %swap3A_894 = arith.constant 1 : i32
        %swap3A_895 = arith.index_cast %swap3A_894 : i32 to index
        %swap3A_896 = arith.constant 112 : index
        %swap3A_897 = tpu.vector_load %arg7[%swap3A_895, %swap3A_896] {strides = array<i32>} : memref<4x128xi32, #tpu.memory_space<vmem>>, vector<1x16xi32>,
        %swap3A_898 = vector.shape_cast %swap3A_897 : vector<1x16xi32> to vector<16xi32>
        %swap3A_899 = vector.shape_cast %add3A_893 : vector<16xi32> to vector<1x16xi32>
        tpu.vector_store %arg7[%swap3A_895, %swap3A_896], %swap3A_899 {strides = array<i32>} : memref<4x128xi32, #tpu.memory_space<vmem>>, vector<1x16xi32>,
        %shift_right_logical3A_900 = arith.constant 14 : i32
        %shift_right_logical3A_901 = vector.broadcast %shift_right_logical3A_900 : i32 to vector<16xi32>
        %shift_right_logical3A_902 = arith.shrui %get3A_888, %shift_right_logical3A_901 : vector<16xi32>
        %swap3A_903 = arith.constant 1 : i32
        %swap3A_904 = arith.index_cast %swap3A_903 : i32 to index
        %swap3A_905 = arith.constant 112 : index
        %swap3A_906 = tpu.vector_load %arg8[%swap3A_904, %swap3A_905] {strides = array<i32>} : memref<4x128xi32, #tpu.memory_space<vmem>>, vector<1x16xi32>,
        %swap3A_907 = vector.shape_cast %swap3A_906 : vector<1x16xi32> to vector<16xi32>
        %swap3A_908 = vector.shape_cast %shift_right_logical3A_902 : vector<16xi32> to vector<1x16xi32>
        tpu.vector_store %arg8[%swap3A_904, %swap3A_905], %swap3A_908 {strides = array<i32>} : memref<4x128xi32, #tpu.memory_space<vmem>>, vector<1x16xi32>,
        %add3A_909 = arith.constant 4 : i32
        %add3A_910 = arith.addi %add3A_678, %add3A_909 : i32
        %sub3A_911 = arith.constant 1 : i32
        %sub3A_912 = arith.subi %add3A_910, %sub3A_911 : i32
        %dma_start3A_913 = arith.constant 1 : i32
        %dma_start3A_914 = arith.constant 0 : i32
        %dma_start3A_915 = tpu.memref_slice %arg7[%dma_start3A_913, %dma_start3A_914] : memref<4x128xi32, #tpu.memory_space<vmem>> -> memref<1x128xi32, #tpu.memory_space<vmem>>
        %dma_start3A_916 = tpu.memref_squeeze %dma_start3A_915 : memref<1x128xi32, #tpu.memory_space<vmem>> -> memref<128xi32, #tpu.memory_space<vmem>>
        %dma_start3A_917 = arith.constant 0 : i32
        %dma_start3A_918 = arith.constant 0 : i32
        %dma_start3A_919 = tpu.memref_slice %arg2[%dma_start3A_917, %dma_start3A_918] : memref<20480x64xf32, #tpu.memory_space<hbm>> -> memref<20480x64xf32, #tpu.memory_space<hbm>>
        tpu.enqueue_indirect_dma source(%dma_start3A_919 : memref<20480x64xf32, #tpu.memory_space<hbm>>) target(%arg10 : memref<128x64xf32, #tpu.memory_space<vmem>>) offsets(%dma_start3A_916 : memref<128xi32, #tpu.memory_space<vmem>>) semaphore(%arg16 : memref<!tpu.dma_semaphore, #tpu.memory_space<semaphore_mem>>)
      } else {
      }
      %dma_wait3A_688 = arith.constant 0 : i32
      %dma_wait3A_689 = arith.constant 0 : i32
      %dma_wait3A_690 = tpu.memref_slice %arg2[%dma_wait3A_688, %dma_wait3A_689] : memref<20480x64xf32, #tpu.memory_space<hbm>> -> memref<128x64xf32, #tpu.memory_space<hbm>>
      %dma_wait3A_691 = arith.constant 0 : i32
      %dma_wait3A_692 = arith.constant 0 : i32
      %dma_wait3A_693 = tpu.memref_slice %arg2[%dma_wait3A_691, %dma_wait3A_692] : memref<20480x64xf32, #tpu.memory_space<hbm>> -> memref<128x64xf32, #tpu.memory_space<hbm>>
      tpu.wait_dma2 semaphore(%arg17 : memref<!tpu.dma_semaphore, #tpu.memory_space<semaphore_mem>>) src(%dma_wait3A_693 : memref<128x64xf32, #tpu.memory_space<hbm>>) dst(%arg11 : memref<128x64xf32, #tpu.memory_space<vmem>>)
      %run_scoped3A_694 = arith.constant 2 : i32
      "tpu.region"() ({
        %run_scoped3A_713 = tpu.sem_alloc : memref<!tpu.dma_semaphore, #tpu.memory_space<semaphore_mem>>
        %dma_start3A_714 = arith.constant 0 : i32
        %dma_start3A_715 = tpu.memref_slice %arg8[%run_scoped3A_694, %dma_start3A_714] : memref<4x128xi32, #tpu.memory_space<vmem>> -> memref<1x128xi32, #tpu.memory_space<vmem>>
        %dma_start3A_716 = tpu.memref_squeeze %dma_start3A_715 : memref<1x128xi32, #tpu.memory_space<vmem>> -> memref<128xi32, #tpu.memory_space<vmem>>
        %dma_start3A_717 = arith.constant 0 : i32
        %dma_start3A_718 = arith.constant 0 : i32
        %dma_start3A_719 = tpu.memref_slice %arg5[%dma_start3A_717, %dma_start3A_718] : memref<10240x64xf32, #tpu.memory_space<vmem_shared>> -> memref<10240x64xf32, #tpu.memory_space<vmem_shared>>
        tpu.enqueue_indirect_dma source(%arg11 : memref<128x64xf32, #tpu.memory_space<vmem>>) target(%dma_start3A_719 : memref<10240x64xf32, #tpu.memory_space<vmem_shared>>) offsets(%dma_start3A_716 : memref<128xi32, #tpu.memory_space<vmem>>) semaphore(%run_scoped3A_713 : memref<!tpu.dma_semaphore, #tpu.memory_space<semaphore_mem>>) {add = true}
        %dma_wait3A_720 = arith.constant 0 : i32
        %dma_wait3A_721 = tpu.memref_slice %arg8[%run_scoped3A_694, %dma_wait3A_720] : memref<4x128xi32, #tpu.memory_space<vmem>> -> memref<1x128xi32, #tpu.memory_space<vmem>>
        %dma_wait3A_722 = tpu.memref_squeeze %dma_wait3A_721 : memref<1x128xi32, #tpu.memory_space<vmem>> -> memref<128xi32, #tpu.memory_space<vmem>>
        %dma_wait3A_723 = arith.constant 0 : i32
        %dma_wait3A_724 = arith.constant 0 : i32
        %dma_wait3A_725 = tpu.memref_slice %arg5[%dma_wait3A_723, %dma_wait3A_724] : memref<10240x64xf32, #tpu.memory_space<vmem_shared>> -> memref<10240x64xf32, #tpu.memory_space<vmem_shared>>
        tpu.wait_indirect_dma semaphore(%run_scoped3A_713 : memref<!tpu.dma_semaphore, #tpu.memory_space<semaphore_mem>>) src(%arg11 : memref<128x64xf32, #tpu.memory_space<vmem>>) dst(%dma_wait3A_725 : memref<10240x64xf32, #tpu.memory_space<vmem_shared>>)
        tpu.yield
      }) : () -> ()
      %add3A_695 = arith.constant 3 : i32
      %add3A_696 = arith.addi %mul3A_646, %add3A_695 : i32
      %add3A_697 = arith.constant 4 : i32
      %add3A_698 = arith.addi %add3A_696, %add3A_697 : i32
      %sub3A_699 = arith.constant 1 : i32
      %sub3A_700 = arith.subi %add3A_698, %sub3A_699 : i32
      %lt3A_701 = arith.constant 160 : i32
      %lt3A_702 = arith.cmpi slt, %sub3A_700, %lt3A_701 : i32
      %convert_element_type3A_703 = arith.extui %lt3A_702 : i1 to i32
      %cond3A_704 = arith.constant 0 : i32
      %cond3A_705 = arith.cmpi ne, %convert_element_type3A_703, %cond3A_704 : i32
      scf.if %cond3A_705 {
        %add3A_713 = arith.constant 4 : i32
        %add3A_714 = arith.addi %add3A_696, %add3A_713 : i32
        %sub3A_715 = arith.constant 1 : i32
        %sub3A_716 = arith.subi %add3A_714, %sub3A_715 : i32
        %get3A_717 = arith.index_cast %sub3A_716 : i32 to index
        %get3A_718 = arith.constant 0 : index
        %get3A_719 = tpu.vector_load %arg6[%get3A_717, %get3A_718] {strides = array<i32>} : memref<160x128xi32, #tpu.memory_space<vmem>>, vector<1x16xi32>,
        %get3A_720 = vector.shape_cast %get3A_719 : vector<1x16xi32> to vector<16xi32>
        %and3A_721 = arith.constant 16383 : i32
        %and3A_722 = vector.broadcast %and3A_721 : i32 to vector<16xi32>
        %and3A_723 = arith.andi %get3A_720, %and3A_722 : vector<16xi32>
        %add3A_724 = vector.broadcast %mul3A_0 : i32 to vector<16xi32>
        %add3A_725 = arith.addi %and3A_723, %add3A_724 : vector<16xi32>
        %swap3A_726 = arith.constant 2 : i32
        %swap3A_727 = arith.index_cast %swap3A_726 : i32 to index
        %swap3A_728 = arith.constant 0 : index
        %swap3A_729 = tpu.vector_load %arg7[%swap3A_727, %swap3A_728] {strides = array<i32>} : memref<4x128xi32, #tpu.memory_space<vmem>>, vector<1x16xi32>,
        %swap3A_730 = vector.shape_cast %swap3A_729 : vector<1x16xi32> to vector<16xi32>
        %swap3A_731 = vector.shape_cast %add3A_725 : vector<16xi32> to vector<1x16xi32>
        tpu.vector_store %arg7[%swap3A_727, %swap3A_728], %swap3A_731 {strides = array<i32>} : memref<4x128xi32, #tpu.memory_space<vmem>>, vector<1x16xi32>,
        %shift_right_logical3A_732 = arith.constant 14 : i32
        %shift_right_logical3A_733 = vector.broadcast %shift_right_logical3A_732 : i32 to vector<16xi32>
        %shift_right_logical3A_734 = arith.shrui %get3A_720, %shift_right_logical3A_733 : vector<16xi32>
        %swap3A_735 = arith.constant 2 : i32
        %swap3A_736 = arith.index_cast %swap3A_735 : i32 to index
        %swap3A_737 = arith.constant 0 : index
        %swap3A_738 = tpu.vector_load %arg8[%swap3A_736, %swap3A_737] {strides = array<i32>} : memref<4x128xi32, #tpu.memory_space<vmem>>, vector<1x16xi32>,
        %swap3A_739 = vector.shape_cast %swap3A_738 : vector<1x16xi32> to vector<16xi32>
        %swap3A_740 = vector.shape_cast %shift_right_logical3A_734 : vector<16xi32> to vector<1x16xi32>
        tpu.vector_store %arg8[%swap3A_736, %swap3A_737], %swap3A_740 {strides = array<i32>} : memref<4x128xi32, #tpu.memory_space<vmem>>, vector<1x16xi32>,
        %get3A_741 = arith.index_cast %sub3A_716 : i32 to index
        %get3A_742 = arith.constant 16 : index
        %get3A_743 = tpu.vector_load %arg6[%get3A_741, %get3A_742] {strides = array<i32>} : memref<160x128xi32, #tpu.memory_space<vmem>>, vector<1x16xi32>,
        %get3A_744 = vector.shape_cast %get3A_743 : vector<1x16xi32> to vector<16xi32>
        %and3A_745 = arith.constant 16383 : i32
        %and3A_746 = vector.broadcast %and3A_745 : i32 to vector<16xi32>
        %and3A_747 = arith.andi %get3A_744, %and3A_746 : vector<16xi32>
        %add3A_748 = vector.broadcast %mul3A_0 : i32 to vector<16xi32>
        %add3A_749 = arith.addi %and3A_747, %add3A_748 : vector<16xi32>
        %swap3A_750 = arith.constant 2 : i32
        %swap3A_751 = arith.index_cast %swap3A_750 : i32 to index
        %swap3A_752 = arith.constant 16 : index
        %swap3A_753 = tpu.vector_load %arg7[%swap3A_751, %swap3A_752] {strides = array<i32>} : memref<4x128xi32, #tpu.memory_space<vmem>>, vector<1x16xi32>,
        %swap3A_754 = vector.shape_cast %swap3A_753 : vector<1x16xi32> to vector<16xi32>
        %swap3A_755 = vector.shape_cast %add3A_749 : vector<16xi32> to vector<1x16xi32>
        tpu.vector_store %arg7[%swap3A_751, %swap3A_752], %swap3A_755 {strides = array<i32>} : memref<4x128xi32, #tpu.memory_space<vmem>>, vector<1x16xi32>,
        %shift_right_logical3A_756 = arith.constant 14 : i32
        %shift_right_logical3A_757 = vector.broadcast %shift_right_logical3A_756 : i32 to vector<16xi32>
        %shift_right_logical3A_758 = arith.shrui %get3A_744, %shift_right_logical3A_757 : vector<16xi32>
        %swap3A_759 = arith.constant 2 : i32
        %swap3A_760 = arith.index_cast %swap3A_759 : i32 to index
        %swap3A_761 = arith.constant 16 : index
        %swap3A_762 = tpu.vector_load %arg8[%swap3A_760, %swap3A_761] {strides = array<i32>} : memref<4x128xi32, #tpu.memory_space<vmem>>, vector<1x16xi32>,
        %swap3A_763 = vector.shape_cast %swap3A_762 : vector<1x16xi32> to vector<16xi32>
        %swap3A_764 = vector.shape_cast %shift_right_logical3A_758 : vector<16xi32> to vector<1x16xi32>
        tpu.vector_store %arg8[%swap3A_760, %swap3A_761], %swap3A_764 {strides = array<i32>} : memref<4x128xi32, #tpu.memory_space<vmem>>, vector<1x16xi32>,
        %get3A_765 = arith.index_cast %sub3A_716 : i32 to index
        %get3A_766 = arith.constant 32 : index
        %get3A_767 = tpu.vector_load %arg6[%get3A_765, %get3A_766] {strides = array<i32>} : memref<160x128xi32, #tpu.memory_space<vmem>>, vector<1x16xi32>,
        %get3A_768 = vector.shape_cast %get3A_767 : vector<1x16xi32> to vector<16xi32>
        %and3A_769 = arith.constant 16383 : i32
        %and3A_770 = vector.broadcast %and3A_769 : i32 to vector<16xi32>
        %and3A_771 = arith.andi %get3A_768, %and3A_770 : vector<16xi32>
        %add3A_772 = vector.broadcast %mul3A_0 : i32 to vector<16xi32>
        %add3A_773 = arith.addi %and3A_771, %add3A_772 : vector<16xi32>
        %swap3A_774 = arith.constant 2 : i32
        %swap3A_775 = arith.index_cast %swap3A_774 : i32 to index
        %swap3A_776 = arith.constant 32 : index
        %swap3A_777 = tpu.vector_load %arg7[%swap3A_775, %swap3A_776] {strides = array<i32>} : memref<4x128xi32, #tpu.memory_space<vmem>>, vector<1x16xi32>,
        %swap3A_778 = vector.shape_cast %swap3A_777 : vector<1x16xi32> to vector<16xi32>
        %swap3A_779 = vector.shape_cast %add3A_773 : vector<16xi32> to vector<1x16xi32>
        tpu.vector_store %arg7[%swap3A_775, %swap3A_776], %swap3A_779 {strides = array<i32>} : memref<4x128xi32, #tpu.memory_space<vmem>>, vector<1x16xi32>,
        %shift_right_logical3A_780 = arith.constant 14 : i32
        %shift_right_logical3A_781 = vector.broadcast %shift_right_logical3A_780 : i32 to vector<16xi32>
        %shift_right_logical3A_782 = arith.shrui %get3A_768, %shift_right_logical3A_781 : vector<16xi32>
        %swap3A_783 = arith.constant 2 : i32
        %swap3A_784 = arith.index_cast %swap3A_783 : i32 to index
        %swap3A_785 = arith.constant 32 : index
        %swap3A_786 = tpu.vector_load %arg8[%swap3A_784, %swap3A_785] {strides = array<i32>} : memref<4x128xi32, #tpu.memory_space<vmem>>, vector<1x16xi32>,
        %swap3A_787 = vector.shape_cast %swap3A_786 : vector<1x16xi32> to vector<16xi32>
        %swap3A_788 = vector.shape_cast %shift_right_logical3A_782 : vector<16xi32> to vector<1x16xi32>
        tpu.vector_store %arg8[%swap3A_784, %swap3A_785], %swap3A_788 {strides = array<i32>} : memref<4x128xi32, #tpu.memory_space<vmem>>, vector<1x16xi32>,
        %get3A_789 = arith.index_cast %sub3A_716 : i32 to index
        %get3A_790 = arith.constant 48 : index
        %get3A_791 = tpu.vector_load %arg6[%get3A_789, %get3A_790] {strides = array<i32>} : memref<160x128xi32, #tpu.memory_space<vmem>>, vector<1x16xi32>,
        %get3A_792 = vector.shape_cast %get3A_791 : vector<1x16xi32> to vector<16xi32>
        %and3A_793 = arith.constant 16383 : i32
        %and3A_794 = vector.broadcast %and3A_793 : i32 to vector<16xi32>
        %and3A_795 = arith.andi %get3A_792, %and3A_794 : vector<16xi32>
        %add3A_796 = vector.broadcast %mul3A_0 : i32 to vector<16xi32>
        %add3A_797 = arith.addi %and3A_795, %add3A_796 : vector<16xi32>
        %swap3A_798 = arith.constant 2 : i32
        %swap3A_799 = arith.index_cast %swap3A_798 : i32 to index
        %swap3A_800 = arith.constant 48 : index
        %swap3A_801 = tpu.vector_load %arg7[%swap3A_799, %swap3A_800] {strides = array<i32>} : memref<4x128xi32, #tpu.memory_space<vmem>>, vector<1x16xi32>,
        %swap3A_802 = vector.shape_cast %swap3A_801 : vector<1x16xi32> to vector<16xi32>
        %swap3A_803 = vector.shape_cast %add3A_797 : vector<16xi32> to vector<1x16xi32>
        tpu.vector_store %arg7[%swap3A_799, %swap3A_800], %swap3A_803 {strides = array<i32>} : memref<4x128xi32, #tpu.memory_space<vmem>>, vector<1x16xi32>,
        %shift_right_logical3A_804 = arith.constant 14 : i32
        %shift_right_logical3A_805 = vector.broadcast %shift_right_logical3A_804 : i32 to vector<16xi32>
        %shift_right_logical3A_806 = arith.shrui %get3A_792, %shift_right_logical3A_805 : vector<16xi32>
        %swap3A_807 = arith.constant 2 : i32
        %swap3A_808 = arith.index_cast %swap3A_807 : i32 to index
        %swap3A_809 = arith.constant 48 : index
        %swap3A_810 = tpu.vector_load %arg8[%swap3A_808, %swap3A_809] {strides = array<i32>} : memref<4x128xi32, #tpu.memory_space<vmem>>, vector<1x16xi32>,
        %swap3A_811 = vector.shape_cast %swap3A_810 : vector<1x16xi32> to vector<16xi32>
        %swap3A_812 = vector.shape_cast %shift_right_logical3A_806 : vector<16xi32> to vector<1x16xi32>
        tpu.vector_store %arg8[%swap3A_808, %swap3A_809], %swap3A_812 {strides = array<i32>} : memref<4x128xi32, #tpu.memory_space<vmem>>, vector<1x16xi32>,
        %get3A_813 = arith.index_cast %sub3A_716 : i32 to index
        %get3A_814 = arith.constant 64 : index
        %get3A_815 = tpu.vector_load %arg6[%get3A_813, %get3A_814] {strides = array<i32>} : memref<160x128xi32, #tpu.memory_space<vmem>>, vector<1x16xi32>,
        %get3A_816 = vector.shape_cast %get3A_815 : vector<1x16xi32> to vector<16xi32>
        %and3A_817 = arith.constant 16383 : i32
        %and3A_818 = vector.broadcast %and3A_817 : i32 to vector<16xi32>
        %and3A_819 = arith.andi %get3A_816, %and3A_818 : vector<16xi32>
        %add3A_820 = vector.broadcast %mul3A_0 : i32 to vector<16xi32>
        %add3A_821 = arith.addi %and3A_819, %add3A_820 : vector<16xi32>
        %swap3A_822 = arith.constant 2 : i32
        %swap3A_823 = arith.index_cast %swap3A_822 : i32 to index
        %swap3A_824 = arith.constant 64 : index
        %swap3A_825 = tpu.vector_load %arg7[%swap3A_823, %swap3A_824] {strides = array<i32>} : memref<4x128xi32, #tpu.memory_space<vmem>>, vector<1x16xi32>,
        %swap3A_826 = vector.shape_cast %swap3A_825 : vector<1x16xi32> to vector<16xi32>
        %swap3A_827 = vector.shape_cast %add3A_821 : vector<16xi32> to vector<1x16xi32>
        tpu.vector_store %arg7[%swap3A_823, %swap3A_824], %swap3A_827 {strides = array<i32>} : memref<4x128xi32, #tpu.memory_space<vmem>>, vector<1x16xi32>,
        %shift_right_logical3A_828 = arith.constant 14 : i32
        %shift_right_logical3A_829 = vector.broadcast %shift_right_logical3A_828 : i32 to vector<16xi32>
        %shift_right_logical3A_830 = arith.shrui %get3A_816, %shift_right_logical3A_829 : vector<16xi32>
        %swap3A_831 = arith.constant 2 : i32
        %swap3A_832 = arith.index_cast %swap3A_831 : i32 to index
        %swap3A_833 = arith.constant 64 : index
        %swap3A_834 = tpu.vector_load %arg8[%swap3A_832, %swap3A_833] {strides = array<i32>} : memref<4x128xi32, #tpu.memory_space<vmem>>, vector<1x16xi32>,
        %swap3A_835 = vector.shape_cast %swap3A_834 : vector<1x16xi32> to vector<16xi32>
        %swap3A_836 = vector.shape_cast %shift_right_logical3A_830 : vector<16xi32> to vector<1x16xi32>
        tpu.vector_store %arg8[%swap3A_832, %swap3A_833], %swap3A_836 {strides = array<i32>} : memref<4x128xi32, #tpu.memory_space<vmem>>, vector<1x16xi32>,
        %get3A_837 = arith.index_cast %sub3A_716 : i32 to index
        %get3A_838 = arith.constant 80 : index
        %get3A_839 = tpu.vector_load %arg6[%get3A_837, %get3A_838] {strides = array<i32>} : memref<160x128xi32, #tpu.memory_space<vmem>>, vector<1x16xi32>,
        %get3A_840 = vector.shape_cast %get3A_839 : vector<1x16xi32> to vector<16xi32>
        %and3A_841 = arith.constant 16383 : i32
        %and3A_842 = vector.broadcast %and3A_841 : i32 to vector<16xi32>
        %and3A_843 = arith.andi %get3A_840, %and3A_842 : vector<16xi32>
        %add3A_844 = vector.broadcast %mul3A_0 : i32 to vector<16xi32>
        %add3A_845 = arith.addi %and3A_843, %add3A_844 : vector<16xi32>
        %swap3A_846 = arith.constant 2 : i32
        %swap3A_847 = arith.index_cast %swap3A_846 : i32 to index
        %swap3A_848 = arith.constant 80 : index
        %swap3A_849 = tpu.vector_load %arg7[%swap3A_847, %swap3A_848] {strides = array<i32>} : memref<4x128xi32, #tpu.memory_space<vmem>>, vector<1x16xi32>,
        %swap3A_850 = vector.shape_cast %swap3A_849 : vector<1x16xi32> to vector<16xi32>
        %swap3A_851 = vector.shape_cast %add3A_845 : vector<16xi32> to vector<1x16xi32>
        tpu.vector_store %arg7[%swap3A_847, %swap3A_848], %swap3A_851 {strides = array<i32>} : memref<4x128xi32, #tpu.memory_space<vmem>>, vector<1x16xi32>,
        %shift_right_logical3A_852 = arith.constant 14 : i32
        %shift_right_logical3A_853 = vector.broadcast %shift_right_logical3A_852 : i32 to vector<16xi32>
        %shift_right_logical3A_854 = arith.shrui %get3A_840, %shift_right_logical3A_853 : vector<16xi32>
        %swap3A_855 = arith.constant 2 : i32
        %swap3A_856 = arith.index_cast %swap3A_855 : i32 to index
        %swap3A_857 = arith.constant 80 : index
        %swap3A_858 = tpu.vector_load %arg8[%swap3A_856, %swap3A_857] {strides = array<i32>} : memref<4x128xi32, #tpu.memory_space<vmem>>, vector<1x16xi32>,
        %swap3A_859 = vector.shape_cast %swap3A_858 : vector<1x16xi32> to vector<16xi32>
        %swap3A_860 = vector.shape_cast %shift_right_logical3A_854 : vector<16xi32> to vector<1x16xi32>
        tpu.vector_store %arg8[%swap3A_856, %swap3A_857], %swap3A_860 {strides = array<i32>} : memref<4x128xi32, #tpu.memory_space<vmem>>, vector<1x16xi32>,
        %get3A_861 = arith.index_cast %sub3A_716 : i32 to index
        %get3A_862 = arith.constant 96 : index
        %get3A_863 = tpu.vector_load %arg6[%get3A_861, %get3A_862] {strides = array<i32>} : memref<160x128xi32, #tpu.memory_space<vmem>>, vector<1x16xi32>,
        %get3A_864 = vector.shape_cast %get3A_863 : vector<1x16xi32> to vector<16xi32>
        %and3A_865 = arith.constant 16383 : i32
        %and3A_866 = vector.broadcast %and3A_865 : i32 to vector<16xi32>
        %and3A_867 = arith.andi %get3A_864, %and3A_866 : vector<16xi32>
        %add3A_868 = vector.broadcast %mul3A_0 : i32 to vector<16xi32>
        %add3A_869 = arith.addi %and3A_867, %add3A_868 : vector<16xi32>
        %swap3A_870 = arith.constant 2 : i32
        %swap3A_871 = arith.index_cast %swap3A_870 : i32 to index
        %swap3A_872 = arith.constant 96 : index
        %swap3A_873 = tpu.vector_load %arg7[%swap3A_871, %swap3A_872] {strides = array<i32>} : memref<4x128xi32, #tpu.memory_space<vmem>>, vector<1x16xi32>,
        %swap3A_874 = vector.shape_cast %swap3A_873 : vector<1x16xi32> to vector<16xi32>
        %swap3A_875 = vector.shape_cast %add3A_869 : vector<16xi32> to vector<1x16xi32>
        tpu.vector_store %arg7[%swap3A_871, %swap3A_872], %swap3A_875 {strides = array<i32>} : memref<4x128xi32, #tpu.memory_space<vmem>>, vector<1x16xi32>,
        %shift_right_logical3A_876 = arith.constant 14 : i32
        %shift_right_logical3A_877 = vector.broadcast %shift_right_logical3A_876 : i32 to vector<16xi32>
        %shift_right_logical3A_878 = arith.shrui %get3A_864, %shift_right_logical3A_877 : vector<16xi32>
        %swap3A_879 = arith.constant 2 : i32
        %swap3A_880 = arith.index_cast %swap3A_879 : i32 to index
        %swap3A_881 = arith.constant 96 : index
        %swap3A_882 = tpu.vector_load %arg8[%swap3A_880, %swap3A_881] {strides = array<i32>} : memref<4x128xi32, #tpu.memory_space<vmem>>, vector<1x16xi32>,
        %swap3A_883 = vector.shape_cast %swap3A_882 : vector<1x16xi32> to vector<16xi32>
        %swap3A_884 = vector.shape_cast %shift_right_logical3A_878 : vector<16xi32> to vector<1x16xi32>
        tpu.vector_store %arg8[%swap3A_880, %swap3A_881], %swap3A_884 {strides = array<i32>} : memref<4x128xi32, #tpu.memory_space<vmem>>, vector<1x16xi32>,
        %get3A_885 = arith.index_cast %sub3A_716 : i32 to index
        %get3A_886 = arith.constant 112 : index
        %get3A_887 = tpu.vector_load %arg6[%get3A_885, %get3A_886] {strides = array<i32>} : memref<160x128xi32, #tpu.memory_space<vmem>>, vector<1x16xi32>,
        %get3A_888 = vector.shape_cast %get3A_887 : vector<1x16xi32> to vector<16xi32>
        %and3A_889 = arith.constant 16383 : i32
        %and3A_890 = vector.broadcast %and3A_889 : i32 to vector<16xi32>
        %and3A_891 = arith.andi %get3A_888, %and3A_890 : vector<16xi32>
        %add3A_892 = vector.broadcast %mul3A_0 : i32 to vector<16xi32>
        %add3A_893 = arith.addi %and3A_891, %add3A_892 : vector<16xi32>
        %swap3A_894 = arith.constant 2 : i32
        %swap3A_895 = arith.index_cast %swap3A_894 : i32 to index
        %swap3A_896 = arith.constant 112 : index
        %swap3A_897 = tpu.vector_load %arg7[%swap3A_895, %swap3A_896] {strides = array<i32>} : memref<4x128xi32, #tpu.memory_space<vmem>>, vector<1x16xi32>,
        %swap3A_898 = vector.shape_cast %swap3A_897 : vector<1x16xi32> to vector<16xi32>
        %swap3A_899 = vector.shape_cast %add3A_893 : vector<16xi32> to vector<1x16xi32>
        tpu.vector_store %arg7[%swap3A_895, %swap3A_896], %swap3A_899 {strides = array<i32>} : memref<4x128xi32, #tpu.memory_space<vmem>>, vector<1x16xi32>,
        %shift_right_logical3A_900 = arith.constant 14 : i32
        %shift_right_logical3A_901 = vector.broadcast %shift_right_logical3A_900 : i32 to vector<16xi32>
        %shift_right_logical3A_902 = arith.shrui %get3A_888, %shift_right_logical3A_901 : vector<16xi32>
        %swap3A_903 = arith.constant 2 : i32
        %swap3A_904 = arith.index_cast %swap3A_903 : i32 to index
        %swap3A_905 = arith.constant 112 : index
        %swap3A_906 = tpu.vector_load %arg8[%swap3A_904, %swap3A_905] {strides = array<i32>} : memref<4x128xi32, #tpu.memory_space<vmem>>, vector<1x16xi32>,
        %swap3A_907 = vector.shape_cast %swap3A_906 : vector<1x16xi32> to vector<16xi32>
        %swap3A_908 = vector.shape_cast %shift_right_logical3A_902 : vector<16xi32> to vector<1x16xi32>
        tpu.vector_store %arg8[%swap3A_904, %swap3A_905], %swap3A_908 {strides = array<i32>} : memref<4x128xi32, #tpu.memory_space<vmem>>, vector<1x16xi32>,
        %add3A_909 = arith.constant 4 : i32
        %add3A_910 = arith.addi %add3A_696, %add3A_909 : i32
        %sub3A_911 = arith.constant 1 : i32
        %sub3A_912 = arith.subi %add3A_910, %sub3A_911 : i32
        %dma_start3A_913 = arith.constant 2 : i32
        %dma_start3A_914 = arith.constant 0 : i32
        %dma_start3A_915 = tpu.memref_slice %arg7[%dma_start3A_913, %dma_start3A_914] : memref<4x128xi32, #tpu.memory_space<vmem>> -> memref<1x128xi32, #tpu.memory_space<vmem>>
        %dma_start3A_916 = tpu.memref_squeeze %dma_start3A_915 : memref<1x128xi32, #tpu.memory_space<vmem>> -> memref<128xi32, #tpu.memory_space<vmem>>
        %dma_start3A_917 = arith.constant 0 : i32
        %dma_start3A_918 = arith.constant 0 : i32
        %dma_start3A_919 = tpu.memref_slice %arg2[%dma_start3A_917, %dma_start3A_918] : memref<20480x64xf32, #tpu.memory_space<hbm>> -> memref<20480x64xf32, #tpu.memory_space<hbm>>
        tpu.enqueue_indirect_dma source(%dma_start3A_919 : memref<20480x64xf32, #tpu.memory_space<hbm>>) target(%arg11 : memref<128x64xf32, #tpu.memory_space<vmem>>) offsets(%dma_start3A_916 : memref<128xi32, #tpu.memory_space<vmem>>) semaphore(%arg17 : memref<!tpu.dma_semaphore, #tpu.memory_space<semaphore_mem>>)
      } else {
      }
      %dma_wait3A_706 = arith.constant 0 : i32
      %dma_wait3A_707 = arith.constant 0 : i32
      %dma_wait3A_708 = tpu.memref_slice %arg2[%dma_wait3A_706, %dma_wait3A_707] : memref<20480x64xf32, #tpu.memory_space<hbm>> -> memref<128x64xf32, #tpu.memory_space<hbm>>
      %dma_wait3A_709 = arith.constant 0 : i32
      %dma_wait3A_710 = arith.constant 0 : i32
      %dma_wait3A_711 = tpu.memref_slice %arg2[%dma_wait3A_709, %dma_wait3A_710] : memref<20480x64xf32, #tpu.memory_space<hbm>> -> memref<128x64xf32, #tpu.memory_space<hbm>>
      tpu.wait_dma2 semaphore(%arg18 : memref<!tpu.dma_semaphore, #tpu.memory_space<semaphore_mem>>) src(%dma_wait3A_711 : memref<128x64xf32, #tpu.memory_space<hbm>>) dst(%arg12 : memref<128x64xf32, #tpu.memory_space<vmem>>)
      %run_scoped3A_712 = arith.constant 3 : i32
      "tpu.region"() ({
        %run_scoped3A_713 = tpu.sem_alloc : memref<!tpu.dma_semaphore, #tpu.memory_space<semaphore_mem>>
        %dma_start3A_714 = arith.constant 0 : i32
        %dma_start3A_715 = tpu.memref_slice %arg8[%run_scoped3A_712, %dma_start3A_714] : memref<4x128xi32, #tpu.memory_space<vmem>> -> memref<1x128xi32, #tpu.memory_space<vmem>>
        %dma_start3A_716 = tpu.memref_squeeze %dma_start3A_715 : memref<1x128xi32, #tpu.memory_space<vmem>> -> memref<128xi32, #tpu.memory_space<vmem>>
        %dma_start3A_717 = arith.constant 0 : i32
        %dma_start3A_718 = arith.constant 0 : i32
        %dma_start3A_719 = tpu.memref_slice %arg5[%dma_start3A_717, %dma_start3A_718] : memref<10240x64xf32, #tpu.memory_space<vmem_shared>> -> memref<10240x64xf32, #tpu.memory_space<vmem_shared>>
        tpu.enqueue_indirect_dma source(%arg12 : memref<128x64xf32, #tpu.memory_space<vmem>>) target(%dma_start3A_719 : memref<10240x64xf32, #tpu.memory_space<vmem_shared>>) offsets(%dma_start3A_716 : memref<128xi32, #tpu.memory_space<vmem>>) semaphore(%run_scoped3A_713 : memref<!tpu.dma_semaphore, #tpu.memory_space<semaphore_mem>>) {add = true}
        %dma_wait3A_720 = arith.constant 0 : i32
        %dma_wait3A_721 = tpu.memref_slice %arg8[%run_scoped3A_712, %dma_wait3A_720] : memref<4x128xi32, #tpu.memory_space<vmem>> -> memref<1x128xi32, #tpu.memory_space<vmem>>
        %dma_wait3A_722 = tpu.memref_squeeze %dma_wait3A_721 : memref<1x128xi32, #tpu.memory_space<vmem>> -> memref<128xi32, #tpu.memory_space<vmem>>
        %dma_wait3A_723 = arith.constant 0 : i32
        %dma_wait3A_724 = arith.constant 0 : i32
        %dma_wait3A_725 = tpu.memref_slice %arg5[%dma_wait3A_723, %dma_wait3A_724] : memref<10240x64xf32, #tpu.memory_space<vmem_shared>> -> memref<10240x64xf32, #tpu.memory_space<vmem_shared>>
        tpu.wait_indirect_dma semaphore(%run_scoped3A_713 : memref<!tpu.dma_semaphore, #tpu.memory_space<semaphore_mem>>) src(%arg12 : memref<128x64xf32, #tpu.memory_space<vmem>>) dst(%dma_wait3A_725 : memref<10240x64xf32, #tpu.memory_space<vmem_shared>>)
        tpu.yield
      }) : () -> ()
    }
    %scan3A_640 = arith.constant 40 : i32
    %barrier3A_641 = arith.constant 0 : index
    tpu.barrier barrier_id(%barrier3A_641)
    %mul3A_642 = arith.constant 640 : i32
    %mul3A_643 = arith.muli %arg1, %mul3A_642 : i32
    "tpu.region"() ({
      %run_scoped3A = tpu.sem_alloc : memref<!tpu.dma_semaphore, #tpu.memory_space<semaphore_mem>>
      %dma_start3A_644 = arith.constant 0 : i32
      %dma_start3A_645 = tpu.memref_slice %arg4[%arg0, %mul3A_643, %dma_start3A_644] : memref<2x10240x64xf32, #tpu.memory_space<hbm>> -> memref<1x640x64xf32, #tpu.memory_space<hbm>>
      %dma_start3A_646 = tpu.memref_squeeze %dma_start3A_645 : memref<1x640x64xf32, #tpu.memory_space<hbm>> -> memref<640x64xf32, #tpu.memory_space<hbm>>
      %dma_start3A_647 = arith.constant 0 : i32
      %dma_start3A_648 = tpu.memref_slice %arg5[%mul3A_643, %dma_start3A_647] : memref<10240x64xf32, #tpu.memory_space<vmem_shared>> -> memref<640x64xf32, #tpu.memory_space<vmem_shared>>
      tpu.enqueue_dma source(%dma_start3A_648 : memref<640x64xf32, #tpu.memory_space<vmem_shared>>) target(%dma_start3A_646 : memref<640x64xf32, #tpu.memory_space<hbm>>) target_semaphore(%run_scoped3A : memref<!tpu.dma_semaphore, #tpu.memory_space<semaphore_mem>>)
      %dma_wait3A = arith.constant 0 : i32
      %dma_wait3A_649 = tpu.memref_slice %arg4[%arg0, %mul3A_643, %dma_wait3A] : memref<2x10240x64xf32, #tpu.memory_space<hbm>> -> memref<1x640x64xf32, #tpu.memory_space<hbm>>
      %dma_wait3A_650 = tpu.memref_squeeze %dma_wait3A_649 : memref<1x640x64xf32, #tpu.memory_space<hbm>> -> memref<640x64xf32, #tpu.memory_space<hbm>>
      %dma_wait3A_651 = arith.constant 0 : i32
      %dma_wait3A_652 = tpu.memref_slice %arg5[%mul3A_643, %dma_wait3A_651] : memref<10240x64xf32, #tpu.memory_space<vmem_shared>> -> memref<640x64xf32, #tpu.memory_space<vmem_shared>>
      tpu.wait_dma2 semaphore(%run_scoped3A : memref<!tpu.dma_semaphore, #tpu.memory_space<semaphore_mem>>) src(%dma_wait3A_652 : memref<640x64xf32, #tpu.memory_space<vmem_shared>>) dst(%dma_wait3A_650 : memref<640x64xf32, #tpu.memory_space<hbm>>)
      tpu.yield
    }) : () -> ()
    return
  }
}

module attributes {stable_mosaic.version = 14 : i64} {
  func.func @body(%arg0: i32, %arg1: memref<2000x128xf32, #tpu.memory_space<vmem>>, %arg2: memref<2x2000x64xf32, #tpu.memory_space<vmem>>, %arg3: memref<2000x128xf32, #tpu.memory_space<vmem>>) attributes {dimension_semantics = [#tpu.dimension_semantics<arbitrary>], iteration_bounds = array<i64: 5>, scalar_prefetch = 0 : i64, scratch_operands = 0 : i64, tpu.core_type = #tpu.core_type<tc>, window_params = [{transform_indices = @transform_0, window_bounds = array<i64: 2000, 128>}, {transform_indices = @transform_1, window_bounds = array<i64: 2, 2000, 64>}, {transform_indices = @transform_2, window_bounds = array<i64: 2000, 128>}]} {
    %get3A = arith.constant 0 : index
    %get3A_0 = arith.constant 0 : index
    %get3A_1 = arith.constant 0 : index
    %get3A_2 = vector.load %arg2[%get3A, %get3A_0, %get3A_1] : memref<2x2000x64xf32, #tpu.memory_space<vmem>>, vector<1x2000x64xf32>
    %get3A_3 = vector.shape_cast %get3A_2 : vector<1x2000x64xf32> to vector<2000x64xf32>
    %get3A_4 = arith.constant 1 : index
    %get3A_5 = arith.constant 0 : index
    %get3A_6 = arith.constant 0 : index
    %get3A_7 = vector.load %arg2[%get3A_4, %get3A_5, %get3A_6] : memref<2x2000x64xf32, #tpu.memory_space<vmem>>, vector<1x2000x64xf32>
    %get3A_8 = vector.shape_cast %get3A_7 : vector<1x2000x64xf32> to vector<2000x64xf32>
    %concatenate3A = tpu.concatenate %get3A_3, %get3A_8 in 1 : vector<2000x64xf32>, vector<2000x64xf32> -> vector<2000x128xf32>
    %get3A_9 = arith.constant 0 : index
    %get3A_10 = arith.constant 0 : index
    %get3A_11 = vector.load %arg1[%get3A_9, %get3A_10] : memref<2000x128xf32, #tpu.memory_space<vmem>>, vector<2000x128xf32>
    %mul3A = arith.constant 5.000000e-01 : f32
    %mul3A_12 = vector.broadcast %mul3A : f32 to vector<2000x128xf32>
    %mul3A_13 = arith.mulf %get3A_11, %mul3A_12 : vector<2000x128xf32>
    %mul3A_14 = arith.constant 2.500000e-01 : f32
    %mul3A_15 = vector.broadcast %mul3A_14 : f32 to vector<2000x128xf32>
    %mul3A_16 = arith.mulf %mul3A_15, %concatenate3A : vector<2000x128xf32>
    %add3A = arith.addf %mul3A_13, %mul3A_16 : vector<2000x128xf32>
    %max3A = arith.constant 0.000000e+00 : f32
    %max3A_17 = vector.broadcast %max3A : f32 to vector<2000x128xf32>
    %max3A_18 = arith.maximumf %add3A, %max3A_17 : vector<2000x128xf32>
    %swap3A = arith.constant 0 : index
    %swap3A_19 = arith.constant 0 : index
    %swap3A_20 = vector.load %arg3[%swap3A, %swap3A_19] : memref<2000x128xf32, #tpu.memory_space<vmem>>, vector<2000x128xf32>
    tpu.vector_store %arg3[%swap3A, %swap3A_19], %max3A_18 {strides = array<i32>} : memref<2000x128xf32, #tpu.memory_space<vmem>>, vector<2000x128xf32>,
    return
  }
  func.func @transform_0(%arg0: i32) -> (i32, i32) {
    %c0_i32 = arith.constant 0 : i32
    %c0_i32_0 = arith.constant 0 : i32
    return %arg0, %c0_i32 : i32, i32
  }
  func.func @transform_1(%arg0: i32) -> (i32, i32, i32) {
    %c0_i32 = arith.constant 0 : i32
    %c0_i32_0 = arith.constant 0 : i32
    %c0_i32_1 = arith.constant 0 : i32
    return %c0_i32, %arg0, %c0_i32_0 : i32, i32, i32
  }
  func.func @transform_2(%arg0: i32) -> (i32, i32) {
    %c0_i32 = arith.constant 0 : i32
    %c0_i32_0 = arith.constant 0 : i32
    return %arg0, %c0_i32 : i32, i32
  }
}

</mosaic_0001>

<sc_bundles>
// kernel: kernel.4.cloned.1.call-start
scs
__scs_entry_jumppad:
0x0: {  	(pc) =	sbr.rel $0x88, $3  }
0x1: {  	(tag) =	ssettag $0x0;
	lr =	simm.s32 $0x1  }
0x2: {  	[smem:$0x3F9F] =	sst lr;
	_ =	strace $0xD0000000  }
0x3: {  	_ = 	snop  }
0x4: {  	_ = 	snop  }
0x5: {  	_ = 	snop  }
0x6: {  	_ = 	snop  }
0x7: {  	_ = 	snop  }
__scs_overlays_trampoline_lowered:
0x8: {  	[smem:$0x3FAE] =	sst s0  }
0x9: {  	[smem:$0x3FAF] =	sst s1  }
0xa: {  	[smem:$0x3FB0] =	sst s2  }
0xb: {  	[smem:$0x3FB1] =	sst s3  }
0xc: {  	[smem:$0x3FB2] =	sst s4  }
0xd: {  	[smem:$0x3FB3] =	sst s5  }
0xe: {  	[smem:$0x3FB4] =	sst s6  }
0xf: {  	[smem:$0x3FB5] =	sst s7  }
0x10: {  	[smem:$0x3FB6] =	sst s8  }
0x11: {  	[smem:$0x3FB7] =	sst s9;
	s0 =	simm.s32 @!p0 $0x0  }
0x12: {  	s1 =	sld [smem:$0x3F9D];
	s0 =	simm.s32 @p0 $0x1  }
0x13: {  	[smem:$0x3FB8] =	sst s0;
	s0 =	simm.s32 @!p1 $0x0  }
0x14: {  	s2 =	sld [smem:$0x3F9C];
	s0 =	simm.s32 @p1 $0x1  }
0x15: {  	[smem:$0x3FB9] =	sst s0;
	s0 =	simm.s32 @!p2 $0x0  }
0x16: {  	s3 =	sld [smem:$0x3FDB];
	s0 =	simm.s32 @p2 $0x1  }
0x17: {  	s4 =	simm.s32 $0x1BF5;
	[smem:$0x3FBB] =	sst s0  }
0x18: {  	s0 =	sld [smem:$0x3F9E];
	_ =	swait.ge [sflag:s4], $0x0  }
0x19: {  	s7 =	sld [smem:$0x3F9F]  }
0x1a: {  	s8 =	sadd.s32 $0xFFFFE003, lr  }
0x1b: {  	s9 =	sadd.s32 $0xFFFFFEF7, lr;
	s5 =	simm.s32 $0xFFFFFFFF;
	p2 =	slt.u32 s8, $0xFFFFF086  }
0x1c: {  	p1 =	slt.u32 s9, $0xF7A;
	s5 =	simm.s32 @!p2 $0x0  }
0x1d: {  	s5 =	simm.s32 @p1 $0x1;
	p0 =	seq.s32 s7, s2  }
0x1e: {  	s7 =	smul.u32 @!p0 $0xF7A, s2;
	p2 =	seq.s32 @!p0 s5, $0x0  }
0x1f: {  	s9 =	smul.u32 $0xF7A, s1;
	s8 =	simm.s32 @!p0 $0x1BF5;
	p2 =	por !p2, p0  }
0x20: {  	[sflag:s8] =	ssyncset.s32 @!p0 $0xFFFFF086;
	s6 =	sadd.s32 @!p0 s3, s7;
	s7 =	simm.s32 @!p0 $0x108  }
0x21: {  	s3 =	sadd.s32 s3, s9;
	s6 =	sadd.s32 @!p0 $0x88, s6;
	s7 =	simm.s32 @p2 $0x1082  }
0x22: {  	[simem:s7], [sflag:s8] =	dma.local @!p0 [hbm:s6], $0xF7A  }
0x23: {  	s9 =	sor.u32 $0xD0000000, s2;
	s6 =	simm.s32 $0x108;
	_ =	swait.ge @!p0 [sflag:s8], $0x0  }
0x24: {  	s3 =	sadd.s32 $0x88, s3;
	s6 =	simm.s32 @!p1 $0x1082;
	[sflag:s4] =	ssyncset.s32 $0xFFFFF086  }
0x25: {  	[simem:s6], [sflag:s4] =	dma.local [hbm:s3], $0xF7A  }
0x26: {  	[smem:$0x3F9F] =	sst s1;
	(tag) =	ssettag s2;
	_ =	strace s9  }
0x27: {  	s1 =	sld [smem:$0x3FAF]  }
0x28: {  	s2 =	sld [smem:$0x3FB0]  }
0x29: {  	s4 =	sld [smem:$0x3FB2]  }
0x2a: {  	p0 =	seq.s32 s5, $0x0;
	s5 =	sld [smem:$0x3FB3]  }
0x2b: {  	s6 =	sld [smem:$0x3FB4]  }
0x2c: {  	s7 =	sld [smem:$0x3FB5]  }
0x2d: {  	s3 =	simm.s32 $0x108;
	s8 =	sld [smem:$0x3FB6]  }
0x2e: {  	s3 =	simm.s32 @!p0 $0x1082;
	s9 =	sld [smem:$0x3FB7]  }
0x2f: {  	lr =	sadd.s32 s0, s3;
	s0 =	sld [smem:$0x3FAE]  }
0x30: {  	s3 =	sld [smem:$0x3FB1]  }
0x31: {  	[smem:$0x3FBA] =	sst s10  }
0x32: {  	s10 =	sld [smem:$0x3FB8];
	_ =	sdelay $0x3  }
0x33: {  	p0 =	seq.s32 s10, $0x1;
	s10 =	sld [smem:$0x3FBA];
	_ =	sdelay $0x3  }
0x34: {  	[smem:$0x3FBA] =	sst s10  }
0x35: {  	s10 =	sld [smem:$0x3FB9];
	_ =	sdelay $0x3  }
0x36: {  	p1 =	seq.s32 s10, $0x1;
	s10 =	sld [smem:$0x3FBA];
	_ =	sdelay $0x3  }
0x37: {  	[smem:$0x3FBA] =	sst s10  }
0x38: {  	s10 =	sld [smem:$0x3FBB]  }
0x39: {  	_ = 	snop;
	(pc) =	sbr.ind lr, $3  }
0x3a: {  	_ = 	snop  }
0x3b: {  	_ = 	snop  }
0x3c: {  	p2 =	seq.s32 s10, $0x1;
	s10 =	sld [smem:$0x3FBA]  }
0x3d: {  	_ =	shalt  }
0x3e: {  	_ =	shalt  }
0x3f: {  	_ =	shalt  }
0x40: {  	_ =	shalt  }
0x41: {  	_ =	shalt  }
0x42: {  	_ =	shalt  }
0x43: {  	_ =	shalt  }
0x44: {  	_ =	shalt  }
0x45: {  	_ =	shalt  }
0x46: {  	_ =	shalt  }
0x47: {  	_ =	shalt  }
0x48: {  	_ =	shalt  }
0x49: {  	_ =	shalt  }
0x4a: {  	_ =	shalt  }
0x4b: {  	_ =	shalt  }
0x4c: {  	_ =	shalt  }
0x4d: {  	_ =	shalt  }
0x4e: {  	_ =	shalt  }
0x4f: {  	_ =	shalt  }
0x50: {  	_ =	shalt  }
0x51: {  	_ =	shalt  }
0x52: {  	_ =	shalt  }
0x53: {  	_ =	shalt  }
0x54: {  	_ =	shalt  }
0x55: {  	_ =	shalt  }
0x56: {  	_ =	shalt  }
0x57: {  	_ =	shalt  }
0x58: {  	_ =	shalt  }
0x59: {  	_ =	shalt  }
0x5a: {  	_ =	shalt  }
0x5b: {  	_ =	shalt  }
0x5c: {  	_ =	shalt  }
0x5d: {  	_ =	shalt  }
0x5e: {  	_ =	shalt  }
0x5f: {  	_ =	shalt  }
0x60: {  	_ =	shalt  }
0x61: {  	_ =	shalt  }
0x62: {  	_ =	shalt  }
0x63: {  	_ =	shalt  }
0x64: {  	_ =	shalt  }
0x65: {  	_ =	shalt  }
0x66: {  	_ =	shalt  }
0x67: {  	_ =	shalt  }
0x68: {  	_ =	shalt  }
0x69: {  	_ =	shalt  }
0x6a: {  	_ =	shalt  }
0x6b: {  	_ =	shalt  }
0x6c: {  	_ =	shalt  }
0x6d: {  	_ =	shalt  }
0x6e: {  	_ =	shalt  }
0x6f: {  	_ =	shalt  }
0x70: {  	_ =	shalt  }
0x71: {  	_ =	shalt  }
0x72: {  	_ =	shalt  }
0x73: {  	_ =	shalt  }
0x74: {  	_ =	shalt  }
0x75: {  	_ =	shalt  }
0x76: {  	_ =	shalt  }
0x77: {  	_ =	shalt  }
0x78: {  	_ =	shalt  }
0x79: {  	_ =	shalt  }
0x7a: {  	_ =	shalt  }
0x7b: {  	_ =	shalt  }
0x7c: {  	_ =	shalt  }
0x7d: {  	_ =	shalt  }
0x7e: {  	_ =	shalt  }
0x7f: {  	_ =	shalt  }
0x80: {  	_ =	shalt  }
0x81: {  	_ =	shalt  }
0x82: {  	_ =	shalt  }
0x83: {  	_ =	shalt  }
0x84: {  	_ =	shalt  }
0x85: {  	_ =	shalt  }
0x86: {  	_ =	shalt  }
0x87: {  	_ =	shalt  }
.Lfunc_end0:
.L_simem_size_0:
called_computation_lowered:
.L_overlay_start_0:
0x88: {  	s2 =	sld [smem:$0x3FD9]  }
0x89: {  	s3 =	sld [smem:$0x3FFE];
	_ =	sdelay $0x1  }
0x8a: {  	s1 =	srdreg.scid  }
0x8b: {  	s0 =	sand.u32 $0x1, s1  }
0x8c: {  	s17 =	sshll.u32 s0, $0xA;
	s2 =	sadd.s32 s3, s2  }
0x8d: {  	s2 =	sadd.s32 s2, s17  }
0x8e: {  	[smem:$0x3FC6] =	sst s2  }
0x8f: {  	_ = 	snop  }
0x90: {  	s2 =	sld [smem:$0x3FD0];
	(tm) =	ssettm $0x1  }
0x91: {  	s18 =	sld [smem:$0x3FFB];
	_ =	sdelay $0x3  }
0x92: {  	_ =	strace s18  }
0x93: {  	s3 =	sld [smem:$0x3FFC];
	_ =	sdelay $0x3  }
0x94: {  	_ =	strace s3  }
0x95: {  	s3 =	sld [smem:$0x3FFD];
	_ =	sdelay $0x3  }
0x96: {  	_ =	strace s3  }
0x97: {  	_ =	strace $0x8FFFFFFF  }
0x98: {  	s19 =	sld [smem:$0x3FDB];
	_ =	sdelay $0x1  }
0x99: {  	s4 =	simm.s32 $_scs_section_size  }
0x9a: {  	s5 =	simm.s32 $_size__tile_overlayer_lowered;
	s6 =	simm.s32 $_tile_overlayer_lowered  }
0x9b: {  	s22 =	simm.s32 $0x1BFF;
	s21 =	sshll.u32 s6, $0x1;
	s3 =	sadd.s32 s4, s19  }
0x9c: {  	s7 =	simm.s32 $0x0;
	s20 =	sshll.u32 s5, $0x1;
	s5 =	sadd.s32 s21, s3  }
0x9d: {  	[timem:s7], [sflag:s22] =	dma.local [hbm:s5], s20  }
0x9e: {  	_ =	swait.ge [sflag:s22], s20  }
0x9f: {  	s4 =	ssub.s32 $0x0, s20;
	[sflag:s22] =	ssyncset.done $0x0  }
0xa0: {  	[sflag:s22] =	ssyncadd.s32 s4;
	_ =	sdelay $0x1  }
0xa1: {  	s23 =	simm.s32 $0x1B8B  }
0xa2: {  	_ =	swait.ge [sflag:s23], $0x1  }
0xa3: {  	[sflag:s23] =	ssyncset.done $0x0  }
0xa4: {  	s25 =	simm.s32 $0x1B8E;
	s24 =	sld [smem:$0x3FFE];
	[sflag:s23] =	ssyncadd.s32 $0xFFFFFFFF  }
0xa5: {  	s26 =	simm.s32 $execute0_lowered;
	[smem:$0x3FD2] =	sst s25  }
0xa6: {  	s5 =	sshll.u32 s26, $0x1;
	_ =	strace $0x80000046;
	[dreg:$0x1] =	wrdreg $0xFFFFFFFF  }
0xa7: {  	s28 =	simm.s32 $_size_execute0_lowered;
	s3 =	sadd.s32 s3, s5;
	[dreg:$0x0] =	wrdreg $0x0  }
0xa8: {  	s5 =	sshll.u32 s28, $0x1;
	[dreg:$0x2] =	wrdreg s3  }
0xa9: {  	[dreg:$0x3] =	wrdreg s5  }
0xaa: {  	[dreg:$0x4] =	wrdreg $0xC0  }
0xab: {  	_ =	task [dreg:s7], $0x5FFFF  }
0xac: {  	[dreg:$0x1] =	wrdreg $0xFFFFFFFF  }
0xad: {  	[dreg:$0x0] =	wrdreg $0x60  }
0xae: {  	[dreg:$0x2] =	wrdreg s24  }
0xaf: {  	[dreg:$0x3] =	wrdreg s2  }
0xb0: {  	[dreg:$0x4] =	wrdreg $0x0  }
0xb1: {  	[dreg:$0x5] =	wrdreg $0x9  }
0xb2: {  	_ =	task.clear_ibuf [dreg:s7], $0x6FFFF;
	_ =	strace $0x90000046  }
0xb3: {  	s29 =	simm.s32 $0x9;
	_ =	strace $0x80000048  }
0xb4: {  	_ =	swait.ge [sflag:s29], $0x1  }
0xb5: {  	[sflag:s29] =	ssyncadd.s32 $0xFFFFFFFF  }
0xb6: {  	_ =	strace $0x90000048  }
0xb7: {  	_ =	sfence  }
0xb8: {  	s30 =	sld [smem:$0x0];
	_ =	sdelay $0x2  }
0xb9: {  	s31 =	sshll.u32 s1, $0xD;
	s1 =	sshrl.u32 s1, $0x2  }
0xba: {  	s3 =	sand.u32 $0x4000, s31;
	s1 =	sadd.s32 s1, s30  }
0xbb: {  	s0 =	sor.u32 s3, s0;
	s1 =	sshll.u32 s1, $0x11  }
0xbc: {  	s0 =	sor.u32 s1, s0  }
0xbd: {  	s0 =	sadd.s32 $0x8F2B, s0  }
0xbe: {  	[sflag:s0] =	ssyncadd.remote.s32 $0x1  }
0xbf: {  	_ =	sfence.sel $0xFFFF  }
0xc0: {  	[dreg:$0x0] =	wrdreg $0xFFFFFFFF;
	(pc) =	sbr.abs _section_cstart, $3  }
0xc1: {  	[dreg:$0x1] =	wrdreg $0xFFFFFFFF  }
0xc2: {  	_ =	task.clear_ibuf [dreg:s7], $0x2FFFF;
	_ =	strace $0x9FFFFFFF  }
0xc3: {  	(tm) =	ssettm $0x7FFFFFFF  }
tec
execute0_lowered:
.L_overlay_start_1:
0x0: {  	(tag) =	ssettag $0x1  }
0x1: {  	s0 =	rddreg [dreg:$0x0]  }
0x2: {  	s1 =	rddreg [dreg:$0x1]  }
0x3: {  	s2 =	rddreg [dreg:$0x2];
	s3 =	srdreg.scid  }
0x4: {  	s10 =	stileid.u32;
	s4 =	simm.s32 $0x0;
	s15 =	simm.s32 $0x5  }
0x5: {  	s16 =	simm.s32 $0x17400;
	s17 =	simm.s32 $0x80;
	s18 =	simm.s32 $0xF000  }
0x6: {  	s19 =	simm.s32 $0xF400;
	s20 =	simm.s32 $0xF080;
	s21 =	simm.s32 $0x11400  }
0x7: {  	s23 =	simm.s32 $0x13400;
	s28 =	simm.s32 $0xF200;
	s29 =	simm.s32 $0x2  }
0x8: {  	s30 =	simm.s32 $0xF280;
	s31 =	simm.s32 $0x3;
	s5 =	smul.u32 $0xA000, s10  }
0x9: {  	s14 =	simm.s32 $0x4;
	s22 =	simm.s32 $0xF380;
	s7 =	smul.u32 $0xA00, s10  }
0xa: {  	s3 =	sand.u32 $0x1, s3;
	[smem:$0x7FF] =	sst s4;
	s10 =	smul.u32 $0x28000, s10  }
0xb: {  	s24 =	smul.u32 $0xA0000, s3;
	_ =	strace $0x80000047;
	s6 =	ssub.s32 $0x2, s3  }
0xc: {  	s3 =	smul.u32 $0x2800, s3;
	s9 =	sshrl.u32 s6, $0x1;
	s1 =	sadd.s32 s1, s7  }
0xd: {  	s25 =	sshrl.u32 s10, $0x2;
	s7 =	sadd.s32 s5, s2;
	s4 =	sadd.s32 s5, s24  }
0xe: {  	s13 =	ssub.s32 s6, s9;
	[dreg:$0x4] =	wrdreg s1;
	s26 =	sadd.s32 s25, s2  }
0xf: {  	s24 =	simm.s32 $0xF180;
	s25 =	simm.s32 $0x15400;
	s8 =	sshrl.u32 s4, $0x3  }
.Ltmp0:
0x10: {  	s4 =	sadd.s32 $0x800, s0;
	s1 =	sadd.s32 $0x2000, s26;
	(pc) =	sbr.rel .LBB2_1-.Ltmp0, $4  }
0x11: {  	s9 =	sadd.s32 $0x4000, s26;
	s10 =	sadd.s32 $0x6000, s26;
	s11 =	sadd.s32 $0x8000, s26  }
0x12: {  	s13 =	smax.u32 s13, $0x1;
	s26 =	simm.s32 $0x1;
	s12 =	sadd.s32 s8, s0  }
0x13: {  	s0 =	sadd.s32 $0x28400, s0;
	[dreg:$0x6] =	wrdreg s1;
	s1 =	simm.s32 $0x0  }
0x14: {  	v0 =	vmov s3;
	[dreg:$0x5] =	wrdreg s0;
	s12 =	sadd.s32 $0x28800, s12;
	s0 =	simm.s32 $0xF300  }
.LBB2_6:
0x15: {  	s3 =	stileid.u32;
	s1 =	sadd.s32 $0x1, s1  }
0x16: {  	[bflag:$0x0] =	sbarrier.arrive $0xFFFF;
	s3 =	sshll.u32 s3, $0x6;
	p0 =	sne.s32 s1, s13  }
.Ltmp1:
0x17: {  	s5 =	sshrl.u32 s7, $0x3;
	s3 =	sor.u32 $0x1C05, s3;
	(pc) =	sbr.rel @!p0 .LBB2_7-.Ltmp1, $4  }
0x18: {  	[hbm:s12], [sflag:s3] =	dma.local [spmem:s5], $0x1400  }
0x19: {  	_ =	swait.ge [sflag:s15], $0x1400  }
0x1a: {  	[sflag:s15] =	ssyncset.done $0x0  }
0x1b: {  	[sflag:s15] =	ssyncadd.s32 $0xFFFFEC00  }
.LBB2_1:
0x1c: {  	s3 =	simm.s32 $0x0;
	s5 =	rddreg [dreg:$0x4];
	s6 =	simm.s32 $0xA000  }
0x1d: {  	[tilespmem:s6], [sflag:$0x5] =	stream.linear.gather [hbm4b:s5+s3], $0x5000, $0x38;
	[tilespmem:$0x19400] =	vst v63  }
0x1e: {  	_ =	swait.ge [sflag:s15], $0x5000  }
0x1f: {  	[sflag:s15] =	ssyncset.done $0x0  }
0x20: {  	s8 =	rddreg [dreg:$0x5];
	[sflag:s15] =	ssyncadd.s32 $0xFFFFB000  }
0x21: {  	[tilespmem:s16], [sflag:$0x5] =	stream.linear.gather [hbm4b:s8+s3], $0x2000, $0x38;
	[tilespmem:$0x19400] =	vst v63  }
0x22: {  	_ =	swait.ge [sflag:s15], $0x2000  }
0x23: {  	[sflag:s15] =	ssyncset.done $0x0  }
0x24: {  	[sflag:s15] =	ssyncadd.s32 $0xFFFFE000  }
0x25: {  	[spmem:s7] =	stream.linear.scatter [tilespmem:s16], [sflag:$0x5], $0x2000, $0x38;
	[tilespmem:$0x19400] =	vst v63  }
0x26: {  	_ =	swait.ge [sflag:s15], $0x2000  }
0x27: {  	[sflag:s15] =	ssyncset.done $0x0  }
0x28: {  	s6 =	rddreg [dreg:$0x6];
	[sflag:s15] =	ssyncadd.s32 $0xFFFFE000  }
0x29: {  	[spmem:s6] =	stream.linear.scatter [tilespmem:s16], [sflag:$0x5], $0x2000, $0x38;
	[tilespmem:$0x19400] =	vst v63  }
0x2a: {  	_ =	swait.ge [sflag:s15], $0x2000  }
0x2b: {  	[sflag:s15] =	ssyncset.done $0x0  }
0x2c: {  	[sflag:s15] =	ssyncadd.s32 $0xFFFFE000  }
0x2d: {  	[spmem:s9] =	stream.linear.scatter [tilespmem:s16], [sflag:$0x5], $0x2000, $0x38;
	[tilespmem:$0x19400] =	vst v63  }
0x2e: {  	_ =	swait.ge [sflag:s15], $0x2000  }
0x2f: {  	[sflag:s15] =	ssyncset.done $0x0  }
0x30: {  	[sflag:s15] =	ssyncadd.s32 $0xFFFFE000  }
0x31: {  	[spmem:s10] =	stream.linear.scatter [tilespmem:s16], [sflag:$0x5], $0x2000, $0x38;
	[tilespmem:$0x19400] =	vst v63  }
0x32: {  	_ =	swait.ge [sflag:s15], $0x2000  }
0x33: {  	[sflag:s15] =	ssyncset.done $0x0  }
0x34: {  	[sflag:s15] =	ssyncadd.s32 $0xFFFFE000  }
0x35: {  	[spmem:s11] =	stream.linear.scatter [tilespmem:s16], [sflag:$0x5], $0x2000, $0x38;
	[tilespmem:$0x19400] =	vst v63  }
0x36: {  	_ =	swait.ge [sflag:s15], $0x2000  }
0x37: {  	[sflag:s15] =	ssyncset.done $0x0  }
0x38: {  	[sflag:s15] =	ssyncadd.s32 $0xFFFFE000  }
0x39: {  	[bflag:$0x0] =	sbarrier.arrive $0xFFFF  }
0x3a: {  	v1 =	vld [tilespmem:$0xA000]  }
0x3b: {  	v2 =	vld [tilespmem:$0xA010];
	_ =	sdelay $0x1  }
0x3c: {  	v3 =	vld [tilespmem:$0xA020];
	_ =	sdelay $0x1  }
0x3d: {  	v5 =	vld [tilespmem:$0xA030];
	v4 =	vand.u32 $0x3FFF, v1;
	v1 =	vshrl.u32 v1, $0xE  }
0x3e: {  	v45 =	vand.u32 $0x3FFF, v2;
	v4 =	vadd.s32 v0, v4;
	[tilespmem:$0xF200] =	vst v1  }
0x3f: {  	v46 =	vld [tilespmem:$0xA040];
	v1 =	vadd.s32 v0, v45;
	[tilespmem:$0xF000] =	vst v4  }
0x40: {  	[tilespmem:$0xF010] =	vst v1;
	v1 =	vshrl.u32 v2, $0xE;
	v2 =	vand.u32 $0x3FFF, v3  }
0x41: {  	[tilespmem:$0xF210] =	vst v1;
	v1 =	vadd.s32 v0, v2;
	v2 =	vld [tilespmem:$0xA050]  }
0x42: {  	[tilespmem:$0xF020] =	vst v1;
	v1 =	vshrl.u32 v3, $0xE;
	v3 =	vand.u32 $0x3FFF, v5  }
0x43: {  	[tilespmem:$0xF220] =	vst v1;
	v1 =	vadd.s32 v0, v3;
	v3 =	vld [tilespmem:$0xA060]  }
0x44: {  	v47 =	vand.u32 $0x3FFF, v46;
	[tilespmem:$0xF030] =	vst v1;
	v1 =	vshrl.u32 v5, $0xE  }
0x45: {  	v48 =	vld [tilespmem:$0xA070];
	[tilespmem:$0xF230] =	vst v1;
	v1 =	vadd.s32 v0, v47  }
0x46: {  	[tilespmem:$0xF040] =	vst v1;
	v1 =	vshrl.u32 v46, $0xE;
	v49 =	vand.u32 $0x3FFF, v2  }
0x47: {  	[tilespmem:$0xF240] =	vst v1;
	v1 =	vadd.s32 v0, v49  }
0x48: {  	[tilespmem:$0xF050] =	vst v1;
	v1 =	vshrl.u32 v2, $0xE;
	v2 =	vand.u32 $0x3FFF, v3  }
0x49: {  	[tilespmem:$0xF250] =	vst v1;
	v1 =	vadd.s32 v0, v2  }
0x4a: {  	v2 =	vand.u32 $0x3FFF, v48;
	[tilespmem:$0xF060] =	vst v1;
	v1 =	vshrl.u32 v3, $0xE  }
0x4b: {  	[tilespmem:$0xF260] =	vst v1;
	v1 =	vadd.s32 v0, v2  }
0x4c: {  	[tilespmem:$0xF070] =	vst v1;
	v1 =	vshrl.u32 v48, $0xE  }
0x4d: {  	[tilespmem:$0xF270] =	vst v1  }
0x4e: {  	[tilespmem:s19], [sflag:$0x1] =	stream.indirect.gather [hbm4b:s4+s17], $0x40, s18, s17, $0xb8;
	[tilespmem:$0x19400] =	vst v63  }
0x4f: {  	v1 =	vld [tilespmem:$0xA080]  }
0x50: {  	v2 =	vld [tilespmem:$0xA090];
	_ =	sdelay $0x1  }
0x51: {  	v3 =	vld [tilespmem:$0xA0A0];
	_ =	sdelay $0x1  }
0x52: {  	v51 =	vld [tilespmem:$0xA0B0];
	v50 =	vand.u32 $0x3FFF, v1;
	v1 =	vshrl.u32 v1, $0xE  }
0x53: {  	v52 =	vand.u32 $0x3FFF, v2;
	v4 =	vadd.s32 v0, v50;
	[tilespmem:$0xF280] =	vst v1  }
0x54: {  	v53 =	vld [tilespmem:$0xA0C0];
	v1 =	vadd.s32 v0, v52;
	[tilespmem:$0xF080] =	vst v4  }
0x55: {  	[tilespmem:$0xF090] =	vst v1;
	v1 =	vshrl.u32 v2, $0xE;
	v2 =	vand.u32 $0x3FFF, v3  }
0x56: {  	[tilespmem:$0xF290] =	vst v1;
	v1 =	vadd.s32 v0, v2;
	v2 =	vld [tilespmem:$0xA0D0]  }
0x57: {  	[tilespmem:$0xF0A0] =	vst v1;
	v1 =	vshrl.u32 v3, $0xE;
	v3 =	vand.u32 $0x3FFF, v51  }
0x58: {  	[tilespmem:$0xF2A0] =	vst v1;
	v1 =	vadd.s32 v0, v3;
	v3 =	vld [tilespmem:$0xA0E0]  }
0x59: {  	v54 =	vand.u32 $0x3FFF, v53;
	[tilespmem:$0xF0B0] =	vst v1;
	v1 =	vshrl.u32 v51, $0xE  }
0x5a: {  	v55 =	vld [tilespmem:$0xA0F0];
	[tilespmem:$0xF2B0] =	vst v1;
	v1 =	vadd.s32 v0, v54  }
0x5b: {  	[tilespmem:$0xF0C0] =	vst v1;
	v1 =	vshrl.u32 v53, $0xE;
	v56 =	vand.u32 $0x3FFF, v2  }
0x5c: {  	[tilespmem:$0xF2C0] =	vst v1;
	v1 =	vadd.s32 v0, v56  }
0x5d: {  	[tilespmem:$0xF0D0] =	vst v1;
	v1 =	vshrl.u32 v2, $0xE;
	v2 =	vand.u32 $0x3FFF, v3  }
0x5e: {  	[tilespmem:$0xF2D0] =	vst v1;
	v1 =	vadd.s32 v0, v2  }
0x5f: {  	v2 =	vand.u32 $0x3FFF, v55;
	[tilespmem:$0xF0E0] =	vst v1;
	v1 =	vshrl.u32 v3, $0xE  }
0x60: {  	[tilespmem:$0xF2E0] =	vst v1;
	v1 =	vadd.s32 v0, v2  }
0x61: {  	[tilespmem:$0xF0F0] =	vst v1;
	v1 =	vshrl.u32 v55, $0xE  }
0x62: {  	[tilespmem:$0xF2F0] =	vst v1  }
0x63: {  	[tilespmem:s21], [sflag:$0x2] =	stream.indirect.gather [hbm4b:s4+s17], $0x40, s20, s17, $0xb8;
	[tilespmem:$0x19400] =	vst v63  }
0x64: {  	v1 =	vld [tilespmem:$0xA100]  }
0x65: {  	v2 =	vld [tilespmem:$0xA110];
	_ =	sdelay $0x1  }
0x66: {  	v3 =	vld [tilespmem:$0xA120];
	_ =	sdelay $0x1  }
0x67: {  	v58 =	vld [tilespmem:$0xA130];
	v57 =	vand.u32 $0x3FFF, v1;
	v1 =	vshrl.u32 v1, $0xE  }
0x68: {  	v59 =	vand.u32 $0x3FFF, v2;
	v4 =	vadd.s32 v0, v57;
	[tilespmem:$0xF300] =	vst v1  }
0x69: {  	v60 =	vld [tilespmem:$0xA140];
	v1 =	vadd.s32 v0, v59;
	[tilespmem:$0xF100] =	vst v4  }
0x6a: {  	[tilespmem:$0xF110] =	vst v1;
	v1 =	vshrl.u32 v2, $0xE;
	v2 =	vand.u32 $0x3FFF, v3  }
0x6b: {  	[tilespmem:$0xF310] =	vst v1;
	v1 =	vadd.s32 v0, v2;
	v2 =	vld [tilespmem:$0xA150]  }
0x6c: {  	[tilespmem:$0xF120] =	vst v1;
	v1 =	vshrl.u32 v3, $0xE;
	v3 =	vand.u32 $0x3FFF, v58  }
0x6d: {  	[tilespmem:$0xF320] =	vst v1;
	v1 =	vadd.s32 v0, v3;
	v3 =	vld [tilespmem:$0xA160]  }
0x6e: {  	v61 =	vand.u32 $0x3FFF, v60;
	[tilespmem:$0xF130] =	vst v1;
	v1 =	vshrl.u32 v58, $0xE  }
0x6f: {  	v62 =	vld [tilespmem:$0xA170];
	[tilespmem:$0xF330] =	vst v1;
	v1 =	vadd.s32 v0, v61  }
0x70: {  	[tilespmem:$0xF140] =	vst v1;
	v1 =	vshrl.u32 v60, $0xE;
	v63 =	vand.u32 $0x3FFF, v2  }
0x71: {  	[tilespmem:$0xF340] =	vst v1;
	v1 =	vadd.s32 v0, v63  }
0x72: {  	[tilespmem:$0xF150] =	vst v1;
	v1 =	vshrl.u32 v2, $0xE;
	v2 =	vand.u32 $0x3FFF, v3  }
0x73: {  	[tilespmem:$0xF350] =	vst v1;
	v1 =	vadd.s32 v0, v2  }
.Ltmp2:
0x74: {  	v2 =	vand.u32 $0x3FFF, v62;
	[tilespmem:$0xF160] =	vst v1;
	v1 =	vshrl.u32 v3, $0xE;
	(pc) =	sbr.rel .LBB2_2-.Ltmp2, $4  }
0x75: {  	[tilespmem:$0xF360] =	vst v1;
	v1 =	vadd.s32 v0, v2  }
0x76: {  	[tilespmem:$0xF170] =	vst v1;
	v1 =	vshrl.u32 v62, $0xE  }
0x77: {  	s8 =	simm.s32 $0xF100;
	s3 =	simm.s32 $0x0;
	[tilespmem:$0xF370] =	vst v1  }
0x78: {  	[tilespmem:s23], [sflag:$0x3] =	stream.indirect.gather [hbm4b:s4+s17], $0x40, s8, s17, $0xb8;
	[tilespmem:$0x19400] =	vst v63  }
.LBB2_4:
0x79: {  	_ =	swait.ge [sflag:s29], $0x2000  }
0x7a: {  	[sflag:s29] =	ssyncset.done $0x0  }
0x7b: {  	[sflag:s29] =	ssyncadd.s32 $0xFFFFE000  }
0x7c: {  	[spmem:s2] =	stream.indirect.scatter.add.f32 [tilespmem:s21], [sflag:$0x5], $0x40, s30, s17, $0xb8;
	[tilespmem:$0x19400] =	vst v63  }
0x7d: {  	_ =	swait.ge [sflag:s15], $0x2000  }
0x7e: {  	[sflag:s15] =	ssyncset.done $0x0  }
0x7f: {  	[sflag:s15] =	ssyncadd.s32 $0xFFFFE000  }
.LBB2_5:
0x80: {  	_ =	swait.ge [sflag:s31], $0x2000  }
0x81: {  	[sflag:s31] =	ssyncset.done $0x0  }
0x82: {  	[sflag:s31] =	ssyncadd.s32 $0xFFFFE000  }
0x83: {  	[spmem:s2] =	stream.indirect.scatter.add.f32 [tilespmem:s23], [sflag:$0x5], $0x40, s0, s17, $0xb8;
	[tilespmem:$0x19400] =	vst v63  }
0x84: {  	_ =	swait.ge [sflag:s15], $0x2000  }
0x85: {  	[sflag:s15] =	ssyncset.done $0x0  }
0x86: {  	s5 =	sshra.s32 @!p0 s3, $0x2;
	[sflag:s15] =	ssyncadd.s32 $0xFFFFE000  }
0x87: {  	v1 =	vld @!p0 [tilespmem:s5+$0xA300];
	_ =	sdelay $0x4  }
0x88: {  	v2 =	vand.u32 @!p0 $0x3FFF, v1;
	v1 =	vshrl.u32 @!p0 v1, $0xE  }
0x89: {  	v2 =	vadd.s32 @!p0 v0, v2;
	[tilespmem:$0xF300] =	vst @!p0 v1  }
0x8a: {  	[tilespmem:$0xF100] =	vst @!p0 v2  }
0x8b: {  	v1 =	vld @!p0 [tilespmem:s5+$0xA310];
	_ =	sdelay $0x4  }
0x8c: {  	v2 =	vand.u32 @!p0 $0x3FFF, v1;
	v1 =	vshrl.u32 @!p0 v1, $0xE  }
0x8d: {  	v2 =	vadd.s32 @!p0 v0, v2;
	[tilespmem:$0xF310] =	vst @!p0 v1  }
0x8e: {  	[tilespmem:$0xF110] =	vst @!p0 v2  }
0x8f: {  	v1 =	vld @!p0 [tilespmem:s5+$0xA320];
	_ =	sdelay $0x4  }
0x90: {  	v2 =	vand.u32 @!p0 $0x3FFF, v1;
	v1 =	vshrl.u32 @!p0 v1, $0xE  }
0x91: {  	v2 =	vadd.s32 @!p0 v0, v2;
	[tilespmem:$0xF320] =	vst @!p0 v1  }
0x92: {  	[tilespmem:$0xF120] =	vst @!p0 v2  }
0x93: {  	v1 =	vld @!p0 [tilespmem:s5+$0xA330];
	_ =	sdelay $0x4  }
0x94: {  	v2 =	vand.u32 @!p0 $0x3FFF, v1;
	v1 =	vshrl.u32 @!p0 v1, $0xE  }
0x95: {  	v2 =	vadd.s32 @!p0 v0, v2;
	[tilespmem:$0xF330] =	vst @!p0 v1  }
0x96: {  	[tilespmem:$0xF130] =	vst @!p0 v2  }
0x97: {  	v1 =	vld @!p0 [tilespmem:s5+$0xA340];
	_ =	sdelay $0x4  }
0x98: {  	v2 =	vand.u32 @!p0 $0x3FFF, v1;
	v1 =	vshrl.u32 @!p0 v1, $0xE  }
0x99: {  	v2 =	vadd.s32 @!p0 v0, v2;
	[tilespmem:$0xF340] =	vst @!p0 v1  }
0x9a: {  	[tilespmem:$0xF140] =	vst @!p0 v2  }
0x9b: {  	v1 =	vld @!p0 [tilespmem:s5+$0xA350];
	_ =	sdelay $0x4  }
0x9c: {  	v2 =	vand.u32 @!p0 $0x3FFF, v1;
	v1 =	vshrl.u32 @!p0 v1, $0xE  }
0x9d: {  	v2 =	vadd.s32 @!p0 v0, v2;
	[tilespmem:$0xF350] =	vst @!p0 v1  }
0x9e: {  	[tilespmem:$0xF150] =	vst @!p0 v2  }
0x9f: {  	v1 =	vld @!p0 [tilespmem:s5+$0xA360];
	_ =	sdelay $0x4  }
0xa0: {  	v2 =	vand.u32 @!p0 $0x3FFF, v1;
	v1 =	vshrl.u32 @!p0 v1, $0xE  }
0xa1: {  	v2 =	vadd.s32 @!p0 v0, v2;
	[tilespmem:$0xF360] =	vst @!p0 v1  }
0xa2: {  	[tilespmem:$0xF160] =	vst @!p0 v2  }
0xa3: {  	v1 =	vld @!p0 [tilespmem:s5+$0xA370];
	_ =	sdelay $0x4  }
0xa4: {  	v2 =	vand.u32 @!p0 $0x3FFF, v1;
	v1 =	vshrl.u32 @!p0 v1, $0xE  }
0xa5: {  	v2 =	vadd.s32 @!p0 v0, v2;
	[tilespmem:$0xF370] =	vst @!p0 v1  }
0xa6: {  	s6 =	simm.s32 @!p0 $0xF100;
	s8 =	simm.s32 @!p0 $0x13400;
	s5 =	simm.s32 @!p0 $0x80;
	[tilespmem:$0xF170] =	vst @!p0 v2  }
0xa7: {  	[tilespmem:s8], [sflag:$0x3] =	stream.indirect.gather @!p0 [hbm4b:s4+s5], $0x40, s6, s5, $0xb8;
	[tilespmem:$0x19400] =	vst v63  }
0xa8: {  	s3 =	sadd.s32 $0x800, s3;
	_ =	swait.ge [sflag:s14], $0x2000  }
0xa9: {  	p0 =	sne.s32 s3, $0x14000;
	[sflag:s14] =	ssyncset.done $0x0  }
.Ltmp3:
0xaa: {  	[sflag:s14] =	ssyncadd.s32 $0xFFFFE000;
	(pc) =	sbr.rel @!p0 .LBB2_6-.Ltmp3, $4  }
0xab: {  	[spmem:s2] =	stream.indirect.scatter.add.f32 [tilespmem:s25], [sflag:$0x5], $0x40, s22, s17, $0xb8;
	[tilespmem:$0x19400] =	vst v63  }
0xac: {  	_ =	swait.ge [sflag:s15], $0x2000  }
0xad: {  	[sflag:s15] =	ssyncset.done $0x0  }
0xae: {  	[sflag:s15] =	ssyncadd.s32 $0xFFFFE000  }
.LBB2_2:
0xaf: {  	s5 =	sshra.s32 s3, $0x2  }
0xb0: {  	v1 =	vld [tilespmem:s5+$0xA180];
	_ =	sdelay $0x4  }
0xb1: {  	v2 =	vand.u32 $0x3FFF, v1;
	v1 =	vshrl.u32 v1, $0xE  }
0xb2: {  	v2 =	vadd.s32 v0, v2;
	[tilespmem:$0xF380] =	vst v1  }
0xb3: {  	[tilespmem:$0xF180] =	vst v2  }
0xb4: {  	v1 =	vld [tilespmem:s5+$0xA190];
	_ =	sdelay $0x4  }
0xb5: {  	v2 =	vand.u32 $0x3FFF, v1;
	v1 =	vshrl.u32 v1, $0xE  }
0xb6: {  	v2 =	vadd.s32 v0, v2;
	[tilespmem:$0xF390] =	vst v1  }
0xb7: {  	[tilespmem:$0xF190] =	vst v2  }
0xb8: {  	v1 =	vld [tilespmem:s5+$0xA1A0];
	_ =	sdelay $0x4  }
0xb9: {  	v2 =	vand.u32 $0x3FFF, v1;
	v1 =	vshrl.u32 v1, $0xE  }
0xba: {  	v2 =	vadd.s32 v0, v2;
	[tilespmem:$0xF3A0] =	vst v1  }
0xbb: {  	[tilespmem:$0xF1A0] =	vst v2  }
0xbc: {  	v1 =	vld [tilespmem:s5+$0xA1B0];
	_ =	sdelay $0x4  }
0xbd: {  	v2 =	vand.u32 $0x3FFF, v1;
	v1 =	vshrl.u32 v1, $0xE  }
0xbe: {  	v2 =	vadd.s32 v0, v2;
	[tilespmem:$0xF3B0] =	vst v1  }
0xbf: {  	[tilespmem:$0xF1B0] =	vst v2  }
0xc0: {  	v1 =	vld [tilespmem:s5+$0xA1C0];
	_ =	sdelay $0x4  }
0xc1: {  	v2 =	vand.u32 $0x3FFF, v1;
	v1 =	vshrl.u32 v1, $0xE  }
0xc2: {  	v2 =	vadd.s32 v0, v2;
	[tilespmem:$0xF3C0] =	vst v1  }
0xc3: {  	[tilespmem:$0xF1C0] =	vst v2  }
0xc4: {  	v1 =	vld [tilespmem:s5+$0xA1D0];
	_ =	sdelay $0x4  }
0xc5: {  	v2 =	vand.u32 $0x3FFF, v1;
	v1 =	vshrl.u32 v1, $0xE  }
0xc6: {  	v2 =	vadd.s32 v0, v2;
	[tilespmem:$0xF3D0] =	vst v1  }
0xc7: {  	[tilespmem:$0xF1D0] =	vst v2  }
0xc8: {  	v1 =	vld [tilespmem:s5+$0xA1E0];
	_ =	sdelay $0x4  }
0xc9: {  	v2 =	vand.u32 $0x3FFF, v1;
	v1 =	vshrl.u32 v1, $0xE  }
0xca: {  	v2 =	vadd.s32 v0, v2;
	[tilespmem:$0xF3E0] =	vst v1  }
0xcb: {  	[tilespmem:$0xF1E0] =	vst v2  }
0xcc: {  	v1 =	vld [tilespmem:s5+$0xA1F0];
	_ =	sdelay $0x4  }
0xcd: {  	v2 =	vand.u32 $0x3FFF, v1;
	v1 =	vshrl.u32 v1, $0xE  }
0xce: {  	v2 =	vadd.s32 v0, v2;
	[tilespmem:$0xF3F0] =	vst v1  }
0xcf: {  	[tilespmem:$0xF1F0] =	vst v2  }
0xd0: {  	[tilespmem:s25], [sflag:$0x4] =	stream.indirect.gather [hbm4b:s4+s17], $0x40, s24, s17, $0xb8;
	[tilespmem:$0x19400] =	vst v63  }
0xd1: {  	_ =	swait.ge [sflag:s26], $0x2000  }
0xd2: {  	p0 =	seq.s32 s3, $0x13800;
	[sflag:s26] =	ssyncset.done $0x0  }
.Ltmp4:
0xd3: {  	[sflag:s26] =	ssyncadd.s32 $0xFFFFE000;
	(pc) =	sbr.rel @p0 .LBB2_4-.Ltmp4, $4  }
0xd4: {  	[spmem:s2] =	stream.indirect.scatter.add.f32 [tilespmem:s19], [sflag:$0x5], $0x40, s28, s17, $0xb8;
	[tilespmem:$0x19400] =	vst v63  }
0xd5: {  	_ =	swait.ge [sflag:s15], $0x2000  }
0xd6: {  	[sflag:s15] =	ssyncset.done $0x0  }
0xd7: {  	[sflag:s15] =	ssyncadd.s32 $0xFFFFE000  }
0xd8: {  	v1 =	vld [tilespmem:s5+$0xA200];
	_ =	sdelay $0x4  }
0xd9: {  	v2 =	vand.u32 $0x3FFF, v1;
	v1 =	vshrl.u32 v1, $0xE  }
0xda: {  	v2 =	vadd.s32 v0, v2;
	[tilespmem:$0xF200] =	vst v1  }
0xdb: {  	[tilespmem:$0xF000] =	vst v2  }
0xdc: {  	v1 =	vld [tilespmem:s5+$0xA210];
	_ =	sdelay $0x4  }
0xdd: {  	v2 =	vand.u32 $0x3FFF, v1;
	v1 =	vshrl.u32 v1, $0xE  }
0xde: {  	v2 =	vadd.s32 v0, v2;
	[tilespmem:$0xF210] =	vst v1  }
0xdf: {  	[tilespmem:$0xF010] =	vst v2  }
0xe0: {  	v1 =	vld [tilespmem:s5+$0xA220];
	_ =	sdelay $0x4  }
0xe1: {  	v2 =	vand.u32 $0x3FFF, v1;
	v1 =	vshrl.u32 v1, $0xE  }
0xe2: {  	v2 =	vadd.s32 v0, v2;
	[tilespmem:$0xF220] =	vst v1  }
0xe3: {  	[tilespmem:$0xF020] =	vst v2  }
0xe4: {  	v1 =	vld [tilespmem:s5+$0xA230];
	_ =	sdelay $0x4  }
0xe5: {  	v2 =	vand.u32 $0x3FFF, v1;
	v1 =	vshrl.u32 v1, $0xE  }
0xe6: {  	v2 =	vadd.s32 v0, v2;
	[tilespmem:$0xF230] =	vst v1  }
0xe7: {  	[tilespmem:$0xF030] =	vst v2  }
0xe8: {  	v1 =	vld [tilespmem:s5+$0xA240];
	_ =	sdelay $0x4  }
0xe9: {  	v2 =	vand.u32 $0x3FFF, v1;
	v1 =	vshrl.u32 v1, $0xE  }
0xea: {  	v2 =	vadd.s32 v0, v2;
	[tilespmem:$0xF240] =	vst v1  }
0xeb: {  	[tilespmem:$0xF040] =	vst v2  }
0xec: {  	v1 =	vld [tilespmem:s5+$0xA250];
	_ =	sdelay $0x4  }
0xed: {  	v2 =	vand.u32 $0x3FFF, v1;
	v1 =	vshrl.u32 v1, $0xE  }
0xee: {  	v2 =	vadd.s32 v0, v2;
	[tilespmem:$0xF250] =	vst v1  }
0xef: {  	[tilespmem:$0xF050] =	vst v2  }
0xf0: {  	v1 =	vld [tilespmem:s5+$0xA260];
	_ =	sdelay $0x4  }
0xf1: {  	v2 =	vand.u32 $0x3FFF, v1;
	v1 =	vshrl.u32 v1, $0xE  }
0xf2: {  	v2 =	vadd.s32 v0, v2;
	[tilespmem:$0xF260] =	vst v1  }
0xf3: {  	[tilespmem:$0xF060] =	vst v2  }
0xf4: {  	v1 =	vld [tilespmem:s5+$0xA270];
	_ =	sdelay $0x4  }
0xf5: {  	v2 =	vand.u32 $0x3FFF, v1;
	v1 =	vshrl.u32 v1, $0xE  }
0xf6: {  	v2 =	vadd.s32 v0, v2;
	[tilespmem:$0xF270] =	vst v1  }
0xf7: {  	[tilespmem:$0xF070] =	vst v2  }
0xf8: {  	[tilespmem:s19], [sflag:$0x1] =	stream.indirect.gather [hbm4b:s4+s17], $0x40, s18, s17, $0xb8;
	[tilespmem:$0x19400] =	vst v63  }
0xf9: {  	_ =	swait.ge [sflag:s29], $0x2000  }
0xfa: {  	[sflag:s29] =	ssyncset.done $0x0  }
0xfb: {  	[sflag:s29] =	ssyncadd.s32 $0xFFFFE000  }
0xfc: {  	[spmem:s2] =	stream.indirect.scatter.add.f32 [tilespmem:s21], [sflag:$0x5], $0x40, s30, s17, $0xb8;
	[tilespmem:$0x19400] =	vst v63  }
0xfd: {  	_ =	swait.ge [sflag:s15], $0x2000  }
0xfe: {  	[sflag:s15] =	ssyncset.done $0x0  }
0xff: {  	[sflag:s15] =	ssyncadd.s32 $0xFFFFE000  }
0x100: {  	v1 =	vld [tilespmem:s5+$0xA280];
	_ =	sdelay $0x4  }
0x101: {  	v2 =	vand.u32 $0x3FFF, v1;
	v1 =	vshrl.u32 v1, $0xE  }
0x102: {  	v2 =	vadd.s32 v0, v2;
	[tilespmem:$0xF280] =	vst v1  }
0x103: {  	[tilespmem:$0xF080] =	vst v2  }
0x104: {  	v1 =	vld [tilespmem:s5+$0xA290];
	_ =	sdelay $0x4  }
0x105: {  	v2 =	vand.u32 $0x3FFF, v1;
	v1 =	vshrl.u32 v1, $0xE  }
0x106: {  	v2 =	vadd.s32 v0, v2;
	[tilespmem:$0xF290] =	vst v1  }
0x107: {  	[tilespmem:$0xF090] =	vst v2  }
0x108: {  	v1 =	vld [tilespmem:s5+$0xA2A0];
	_ =	sdelay $0x4  }
0x109: {  	v2 =	vand.u32 $0x3FFF, v1;
	v1 =	vshrl.u32 v1, $0xE  }
0x10a: {  	v2 =	vadd.s32 v0, v2;
	[tilespmem:$0xF2A0] =	vst v1  }
0x10b: {  	[tilespmem:$0xF0A0] =	vst v2  }
0x10c: {  	v1 =	vld [tilespmem:s5+$0xA2B0];
	_ =	sdelay $0x4  }
0x10d: {  	v2 =	vand.u32 $0x3FFF, v1;
	v1 =	vshrl.u32 v1, $0xE  }
0x10e: {  	v2 =	vadd.s32 v0, v2;
	[tilespmem:$0xF2B0] =	vst v1  }
0x10f: {  	[tilespmem:$0xF0B0] =	vst v2  }
0x110: {  	v1 =	vld [tilespmem:s5+$0xA2C0];
	_ =	sdelay $0x4  }
0x111: {  	v2 =	vand.u32 $0x3FFF, v1;
	v1 =	vshrl.u32 v1, $0xE  }
0x112: {  	v2 =	vadd.s32 v0, v2;
	[tilespmem:$0xF2C0] =	vst v1  }
0x113: {  	[tilespmem:$0xF0C0] =	vst v2  }
0x114: {  	v1 =	vld [tilespmem:s5+$0xA2D0];
	_ =	sdelay $0x4  }
0x115: {  	v2 =	vand.u32 $0x3FFF, v1;
	v1 =	vshrl.u32 v1, $0xE  }
0x116: {  	v2 =	vadd.s32 v0, v2;
	[tilespmem:$0xF2D0] =	vst v1  }
0x117: {  	[tilespmem:$0xF0D0] =	vst v2  }
0x118: {  	v1 =	vld [tilespmem:s5+$0xA2E0];
	_ =	sdelay $0x4  }
0x119: {  	v2 =	vand.u32 $0x3FFF, v1;
	v1 =	vshrl.u32 v1, $0xE  }
0x11a: {  	v2 =	vadd.s32 v0, v2;
	[tilespmem:$0xF2E0] =	vst v1  }
0x11b: {  	[tilespmem:$0xF0E0] =	vst v2  }
0x11c: {  	v1 =	vld [tilespmem:s5+$0xA2F0];
	_ =	sdelay $0x3  }
.Ltmp5:
0x11d: {  	_ = 	snop;
	(pc) =	sbr.rel .LBB2_5-.Ltmp5, $4  }
0x11e: {  	v2 =	vand.u32 $0x3FFF, v1;
	v1 =	vshrl.u32 v1, $0xE  }
0x11f: {  	v2 =	vadd.s32 v0, v2;
	[tilespmem:$0xF2F0] =	vst v1  }
0x120: {  	[tilespmem:$0xF0F0] =	vst v2  }
0x121: {  	[tilespmem:s21], [sflag:$0x2] =	stream.indirect.gather [hbm4b:s4+s17], $0x40, s20, s17, $0xb8;
	[tilespmem:$0x19400] =	vst v63  }
.LBB2_7:
0x122: {  	_ =	sfence.sel $0x180000  }
0x123: {  	[bflag:$0x0] =	sbarrier.arrive $0xFFFF  }
0x124: {  	_ =	strace $0x90000047  }
0x125: {  	s0 =	stileid.u32;
	[bflag:$0x2] =	sbarrier.arrive $0xFFFF  }
0x126: {  	p0 =	sne.s32 s0, $0x0;
	s0 =	rddreg [dreg:$0x3]  }
0x127: {  	s0 =	sadd.s32 @!p0 $0x100000, s0  }
0x128: {  	[sflag:s0] =	ssyncadd.tile.s32 @!p0 $0x1;
	_ =	shalt  }
.Lfunc_end2:
_tile_overlayer_lowered:
.L_overlay_start_2:
0x129: {  	(tag) =	ssettag $0x2  }
0x12a: {  	s0 =	rddreg [dreg:$0x0];
	s2 =	stileid.u32  }
0x12b: {  	s1 =	rddreg [dreg:$0x1];
	p0 =	sne.s32 s2, $0x0  }
0x12c: {  	s3 =	rddreg [dreg:$0x2];
	[bflag:$0x3] =	sbarrier.arrive $0xFFFF;
	s2 =	simm.s32 @!p0 $0x1C05  }
0x12d: {  	[timem:s3], [sflag:s2] =	dma.local @!p0 [hbm:s0], s1  }
0x12e: {  	s0 =	simm.s32 @!p0 $0x5  }
0x12f: {  	_ =	swait.ge @!p0 [sflag:s0], s1  }
0x130: {  	s1 =	ssub.s32 @!p0 $0x0, s1;
	[sflag:s0] =	ssyncset.done @!p0 $0x0  }
0x131: {  	[sflag:s0] =	ssyncadd.s32 @!p0 s1  }
0x132: {  	[bflag:$0x3] =	sbarrier.arrive $0xFFFF  }
0x133: {  	_ =	shalt  }

</sc_bundles>
